<compile_context>
chip_gen: v7x
topology: tpu7x:2x2x1
jax: 0.10.2.dev20260603
libtpu: 0.0.44.dev20260713+nightly
codegen_flags: <defaults>
</compile_context>

<pallas_src>
import functools

import jax
import jax.numpy as jnp
from jax import lax
from jax.experimental import pallas as pl
from jax.experimental.pallas import tpu as pltpu
from jax.experimental.pallas import tpu_sc as plsc

N, D, H, O, E, RH = 8192, 768, 768, 768, 8, 256
TB = 1024
NB_R = N // TB
B = 512
NBLK = N // B + E
P = NBLK * B
NC, NS = 2, 16
NW = NC * NS
CH = N // NW
IC = 64
NCHK = CH // IC

_HI = lax.Precision.HIGHEST


D2 = D // 2


def _pack_bf16(xf):
    xb = xf.astype(jnp.bfloat16)
    lo = lax.bitcast_convert_type(xb[:, :D2], jnp.uint16).astype(jnp.uint32)
    hi = lax.bitcast_convert_type(xb[:, D2:], jnp.uint16).astype(jnp.uint32)
    return lax.bitcast_convert_type(lo | (hi << 16), jnp.int32)


def _unpack_bf16(xi):
    xu = lax.bitcast_convert_type(xi, jnp.uint32)
    lo = lax.bitcast_convert_type((xu & 0xFFFF).astype(jnp.uint16),
                                  jnp.bfloat16)
    hi = lax.bitcast_convert_type((xu >> 16).astype(jnp.uint16),
                                  jnp.bfloat16)
    return jnp.concatenate([lo, hi], axis=1)


def _router_body(x_ref, wr1_ref, br1_ref, wr2_ref, br2_ref,
                 chosen_ref, ranks_ref, counts_ref, xb_ref, carry_ref):
    t = pl.program_id(0)

    @pl.when(t == 0)
    def _():
        carry_ref[...] = jnp.zeros_like(carry_ref)

    h = jnp.dot(x_ref[...], wr1_ref[...]) + br1_ref[...]
    logitsT = lax.dot_general(wr2_ref[...], h,
                              (((0,), (1,)), ((), ()))) + br2_ref[...]
    mx = jnp.max(logitsT, axis=0, keepdims=True)
    eidx = lax.broadcasted_iota(jnp.int32, (E, TB), 0)
    chosenT = jnp.min(jnp.where(logitsT >= mx, eidx, E), axis=0,
                      keepdims=True)
    onehotT = (eidx == chosenT)
    ohf = onehotT.astype(jnp.float32)
    ri = lax.broadcasted_iota(jnp.int32, (128, 128), 0)
    ci = lax.broadcasted_iota(jnp.int32, (128, 128), 1)
    triu = (ri < ci).astype(jnp.float32)
    carry = carry_ref[...]
    parts = []
    for g in range(TB // 128):
        blk = ohf[:, g * 128:(g + 1) * 128]
        local = jnp.dot(blk, triu)
        parts.append(local + carry)
        carry = carry + jnp.sum(blk, axis=1, keepdims=True)
    ranksT = jnp.concatenate(parts, axis=1)
    rank_tok = jnp.sum(jnp.where(onehotT, ranksT, 0.0), axis=0,
                       keepdims=True)
    chosen_ref[0] = chosenT
    ranks_ref[0] = rank_tok.astype(jnp.int32)
    counts_ref[...] = carry.astype(jnp.int32)
    carry_ref[...] = carry
    xb_ref[...] = _pack_bf16(x_ref[...])


def _router(x, Wr1, br1, Wr2, br2):
    return pl.pallas_call(
        _router_body,
        grid=(NB_R,),
        in_specs=[
            pl.BlockSpec((TB, D), lambda i: (i, 0)),
            pl.BlockSpec((D, RH), lambda i: (0, 0)),
            pl.BlockSpec((1, RH), lambda i: (0, 0)),
            pl.BlockSpec((RH, E), lambda i: (0, 0)),
            pl.BlockSpec((E, 1), lambda i: (0, 0)),
        ],
        out_specs=[
            pl.BlockSpec((1, 1, TB), lambda i: (i, 0, 0)),
            pl.BlockSpec((1, 1, TB), lambda i: (i, 0, 0)),
            pl.BlockSpec((E, 1), lambda i: (0, 0)),
            pl.BlockSpec((TB, D2), lambda i: (i, 0)),
        ],
        out_shape=[
            jax.ShapeDtypeStruct((NB_R, 1, TB), jnp.int32),
            jax.ShapeDtypeStruct((NB_R, 1, TB), jnp.int32),
            jax.ShapeDtypeStruct((E, 1), jnp.int32),
            jax.ShapeDtypeStruct((N, D2), jnp.int32),
        ],
        scratch_shapes=[pltpu.VMEM((E, 1), jnp.float32)],
    )(x, Wr1, br1[None, :], Wr2, br2[:, None])


def _dest_body(counts_ref, chosen_ref, ranks_ref,
               dest_ref, emap_ref, act_ref, first_ref):
    counts_i = counts_ref[...]
    counts = counts_i.astype(jnp.float32)
    padded = (((counts_i + (B - 1)) // B) * B).astype(jnp.float32)
    te_r = lax.broadcasted_iota(jnp.int32, (E, E), 0)
    te_c = lax.broadcasted_iota(jnp.int32, (E, E), 1)
    trilE = (te_c < te_r).astype(jnp.float32)
    pad_off = jnp.dot(trilE, padded)
    ends = pad_off + padded
    starts = (lax.broadcasted_iota(jnp.int32, (1, NBLK), 1)
              * B).astype(jnp.float32)
    ge = (starts >= ends).astype(jnp.float32)
    emap_raw = jnp.sum(ge, axis=0, keepdims=True)
    emap = jnp.minimum(emap_raw, float(E - 1))
    esel = (lax.broadcasted_iota(jnp.int32, (E, NBLK), 0)
            == emap.astype(jnp.int32))
    pad_off_sel = jnp.sum(jnp.where(esel, pad_off, 0.0), axis=0,
                          keepdims=True)
    counts_sel = jnp.sum(jnp.where(esel, counts, 0.0), axis=0,
                         keepdims=True)
    off_b = starts - pad_off_sel
    act = (emap_raw < E) & (off_b < counts_sel)
    first = act & (off_b == 0.0)
    emap_ref[...] = emap.astype(jnp.int32)
    act_ref[...] = act.astype(jnp.int32)
    first_ref[...] = first.astype(jnp.int32)

    ch = chosen_ref[...]
    off = jnp.zeros_like(ch, dtype=jnp.float32)
    for e in range(E):
        off = jnp.where(ch == e, pad_off[e, 0], off)
    dest_ref[...] = off.astype(jnp.int32) + ranks_ref[...]


def _dest(counts2, chosen3, ranks3):
    return pl.pallas_call(
        _dest_body,
        grid=(1,),
        in_specs=[
            pl.BlockSpec((E, 1), lambda i: (0, 0)),
            pl.BlockSpec((NB_R, 1, TB), lambda i: (0, 0, 0)),
            pl.BlockSpec((NB_R, 1, TB), lambda i: (0, 0, 0)),
        ],
        out_specs=[
            pl.BlockSpec((NB_R, 1, TB), lambda i: (0, 0, 0)),
            pl.BlockSpec((1, NBLK), lambda i: (0, 0)),
            pl.BlockSpec((1, NBLK), lambda i: (0, 0)),
            pl.BlockSpec((1, NBLK), lambda i: (0, 0)),
        ],
        out_shape=[
            jax.ShapeDtypeStruct((NB_R, 1, TB), jnp.int32),
            jax.ShapeDtypeStruct((1, NBLK), jnp.int32),
            jax.ShapeDtypeStruct((1, NBLK), jnp.int32),
            jax.ShapeDtypeStruct((1, NBLK), jnp.int32),
        ],
    )(counts2, chosen3, ranks3)


def _sc_scatter(x, dest):
    mesh = plsc.VectorSubcoreMesh(core_axis_name="c", subcore_axis_name="s")

    @functools.partial(
        pl.kernel, mesh=mesh,
        out_type=jax.ShapeDtypeStruct((P, D2), jnp.int32),
        scratch_types=[
            pltpu.VMEM((NCHK, IC), jnp.int32),
            pltpu.VMEM((IC, D2), jnp.int32),
            pltpu.VMEM((IC, D2), jnp.int32),
            pltpu.SemaphoreType.DMA,
            pltpu.SemaphoreType.DMA,
            pltpu.SemaphoreType.DMA,
        ],
    )
    def k(x_hbm, dest_hbm, xs_hbm, dest_v, rows0, rows1, lsem0, lsem1, ssem):
        wid = lax.axis_index("s") * NC + lax.axis_index("c")
        base = wid * CH
        rows = [rows0, rows1]
        lsem = [lsem0, lsem1]
        pltpu.sync_copy(dest_hbm.at[wid], dest_v)
        ld = [None, None]
        ld[0] = pltpu.async_copy(x_hbm.at[pl.ds(base, IC)], rows0, lsem0)
        for kk in range(NCHK):
            nxt = kk + 1
            if nxt < NCHK:
                ld[nxt % 2] = pltpu.async_copy(
                    x_hbm.at[pl.ds(base + nxt * IC, IC)], rows[nxt % 2],
                    lsem[nxt % 2])
            ld[kk % 2].wait()
            pltpu.async_copy(rows[kk % 2], xs_hbm.at[dest_v.at[kk]],
                             ssem).wait()

    return k(x, dest)


def _grouped_body(emap_ref, act_ref, first_ref, x_ref, w1_ref, b1_ref,
                  w2_ref, b2_ref, o_ref, m_v, c_v):
    b = pl.program_id(0)

    @pl.when((first_ref[b] != 0) & (act_ref[b] != 0))
    def _():
        w2 = w2_ref[0]
        m = jnp.dot(w1_ref[0].astype(jnp.bfloat16), w2.astype(jnp.bfloat16),
                    preferred_element_type=jnp.float32)
        m_v[...] = m.astype(jnp.bfloat16)
        c_v[...] = jnp.dot(b1_ref[0], w2) + b2_ref[0]

    @pl.when(act_ref[b] != 0)
    def _():
        xb = _unpack_bf16(x_ref[...])
        o_ref[...] = jnp.dot(xb, m_v[...],
                             preferred_element_type=jnp.float32) + c_v[...]


def _grouped(emap, act, first, xs, W1, b1, W2, b2):
    spec = pltpu.PrefetchScalarGridSpec(
        num_scalar_prefetch=3,
        grid=(NBLK,),
        in_specs=[
            pl.BlockSpec((B, D2), lambda b, em, ac, fi: (b, 0)),
            pl.BlockSpec((1, D, H), lambda b, em, ac, fi: (em[b], 0, 0)),
            pl.BlockSpec((1, 1, H), lambda b, em, ac, fi: (em[b], 0, 0)),
            pl.BlockSpec((1, H, O), lambda b, em, ac, fi: (em[b], 0, 0)),
            pl.BlockSpec((1, 1, O), lambda b, em, ac, fi: (em[b], 0, 0)),
        ],
        out_specs=pl.BlockSpec((B, O), lambda b, em, ac, fi: (b, 0)),
        scratch_shapes=[
            pltpu.VMEM((D, O), jnp.bfloat16),
            pltpu.VMEM((1, O), jnp.float32),
        ],
    )
    return pl.pallas_call(
        _grouped_body,
        grid_spec=spec,
        out_shape=jax.ShapeDtypeStruct((P, O), jnp.float32),
    )(emap, act, first, xs, W1, b1[:, None, :], W2, b2[:, None, :])


def _sc_gather(os_sorted, dest):
    mesh = plsc.VectorSubcoreMesh(core_axis_name="c", subcore_axis_name="s")

    @functools.partial(
        pl.kernel, mesh=mesh,
        out_type=jax.ShapeDtypeStruct((N, O), jnp.float32),
        scratch_types=[
            pltpu.VMEM((NCHK, IC), jnp.int32),
            pltpu.VMEM((IC, O), jnp.float32),
            pltpu.VMEM((IC, O), jnp.float32),
            pltpu.SemaphoreType.DMA,
            pltpu.SemaphoreType.DMA,
        ],
    )
    def k(os_hbm, dest_hbm, out_hbm, dest_v, rows0, rows1, gsem0, gsem1):
        wid = lax.axis_index("s") * NC + lax.axis_index("c")
        base = wid * CH
        rows = [rows0, rows1]
        gsem = [gsem0, gsem1]
        pltpu.sync_copy(dest_hbm.at[wid], dest_v)
        gd = [None, None]
        gd[0] = pltpu.async_copy(os_hbm.at[dest_v.at[0]], rows0, gsem0)
        for kk in range(NCHK):
            nxt = kk + 1
            if nxt < NCHK:
                gd[nxt % 2] = pltpu.async_copy(
                    os_hbm.at[dest_v.at[nxt]], rows[nxt % 2], gsem[nxt % 2])
            gd[kk % 2].wait()
            pltpu.sync_copy(rows[kk % 2], out_hbm.at[pl.ds(base + kk * IC, IC)])

    return k(os_sorted, dest)


def kernel(x, W1, b1, W2, b2, Wr1, br1, Wr2, br2):
    chosen3, ranks3, counts2, xb = _router(x, Wr1, br1, Wr2, br2)
    dest3, emap2, act2, first2 = _dest(counts2, chosen3, ranks3)
    dest = dest3.reshape(NW, NCHK, IC)
    xs = _sc_scatter(xb, dest)
    os_sorted = _grouped(emap2.reshape(NBLK), act2.reshape(NBLK),
                         first2.reshape(NBLK), xs, W1, b1, W2, b2)
    return _sc_gather(os_sorted, dest)

# --- scband reference (transcript-rebuilt; emitter-appended) ---
"""Pipeline reference for scband-mo-pmodule-36421322670643 (READ-ONLY COPY).

The authoritative reference and input builder live on the scoring server;
editing this copy changes nothing except your own understanding.
"""

import jax, jax.numpy as jnp
import numpy as np

N, D, H, O, E, RH = 8192, 768, 768, 768, 8, 256


def setup_inputs(seed: int = 0) -> dict:
    key = jax.random.key(seed)
    ks = jax.random.split(key, 8)
    x = jax.random.normal(ks[0], (N, D), dtype=jnp.float32)
    # stacked per-policy (expert) parameters: each policy is Linear(D->H) then Linear(H->O)
    W1 = jax.random.normal(ks[1], (E, D, H), dtype=jnp.float32) * 0.02
    b1 = jnp.zeros((E, H), dtype=jnp.float32)
    W2 = jax.random.normal(ks[2], (E, H, O), dtype=jnp.float32) * 0.02
    b2 = jnp.zeros((E, O), dtype=jnp.float32)
    # router: Linear(D->RH) then Linear(RH->E) (no activation for single hidden layer,
    # matching the torch construction where activation is only inserted for i>0)
    Wr1 = jax.random.normal(ks[3], (D, RH), dtype=jnp.float32) * 0.02
    br1 = jnp.zeros((RH,), dtype=jnp.float32)
    Wr2 = jax.random.normal(ks[4], (RH, E), dtype=jnp.float32) * 0.02
    br2 = jnp.zeros((E,), dtype=jnp.float32)
    return {"x": x, "W1": W1, "b1": b1, "W2": W2, "b2": b2,
            "Wr1": Wr1, "br1": br1, "Wr2": Wr2, "br2": br2}


def reference(x, W1, b1, W2, b2, Wr1, br1, Wr2, br2):
    # router logits
    logits = (x @ Wr1 + br1) @ Wr2 + br2  # [N, E]
    chosen = jnp.argmax(logits, axis=-1)  # [N] int, top-1 routing
    results = jnp.zeros((x.shape[0], W2.shape[2]), dtype=x.dtype)
    for i in range(W1.shape[0]):
        h = x @ W1[i] + b1[i]
        o = h @ W2[i] + b2[i]
        mask = (chosen == i).astype(x.dtype)[:, None]
        results = results + o * mask
    return results

if __name__ == "__main__":
    import jax
    _d = setup_inputs()
    print(jax.jit(kernel)(*tuple(_d.values())))

</pallas_src>

<mosaic_0001>
#map = affine_map<(d0, d1) -> (0, 0)>
#map1 = affine_map<(d0, d1) -> (0, 0, 0)>
module attributes {stable_mosaic.version = 14 : i64} {
  func.func @k(%arg0: i32, %arg1: i32, %arg2: memref<8192x384xi32, #tpu.memory_space<hbm>>, %arg3: memref<32x4x64xi32, #tpu.memory_space<hbm>>, %arg4: memref<12288x384xi32, #tpu.memory_space<hbm>>, %arg5: memref<4x64xi32, #tpu.memory_space<vmem>>, %arg6: memref<64x384xi32, #tpu.memory_space<vmem>>, %arg7: memref<64x384xi32, #tpu.memory_space<vmem>>, %arg8: memref<!tpu.dma_semaphore, #tpu.memory_space<semaphore_mem>>, %arg9: memref<!tpu.dma_semaphore, #tpu.memory_space<semaphore_mem>>, %arg10: memref<!tpu.dma_semaphore, #tpu.memory_space<semaphore_mem>>) attributes {dimension_semantics = [#tpu.dimension_semantics<core_parallel>, #tpu.dimension_semantics<subcore_parallel>], iteration_bounds = array<i64: 2, 16>, scalar_prefetch = 0 : i64, scratch_operands = 6 : i64, tpu.core_type = #tpu.core_type<sc_vector_subcore>, window_params = [{transform_indices = #map}, {transform_indices = #map1}, {transform_indices = #map}]} {
    %mul3A = arith.constant 2 : i32
    %mul3A_0 = arith.muli %arg1, %mul3A : i32
    %add3A = arith.addi %mul3A_0, %arg0 : i32
    %mul3A_1 = arith.constant 256 : i32
    %mul3A_2 = arith.muli %add3A, %mul3A_1 : i32
    "tpu.region"() ({
      %run_scoped3A = tpu.sem_alloc : memref<!tpu.dma_semaphore, #tpu.memory_space<semaphore_mem>>
      %dma_start3A_95 = arith.constant 0 : i32
      %dma_start3A_96 = arith.constant 0 : i32
      %dma_start3A_97 = tpu.memref_slice %arg3[%add3A, %dma_start3A_95, %dma_start3A_96] : memref<32x4x64xi32, #tpu.memory_space<hbm>> -> memref<1x4x64xi32, #tpu.memory_space<hbm>>
      %dma_start3A_98 = tpu.memref_squeeze %dma_start3A_97 : memref<1x4x64xi32, #tpu.memory_space<hbm>> -> memref<4x64xi32, #tpu.memory_space<hbm>>
      %dma_start3A_99 = arith.constant 0 : i32
      %dma_start3A_100 = arith.constant 0 : i32
      %dma_start3A_101 = tpu.memref_slice %arg3[%add3A, %dma_start3A_99, %dma_start3A_100] : memref<32x4x64xi32, #tpu.memory_space<hbm>> -> memref<1x4x64xi32, #tpu.memory_space<hbm>>
      %dma_start3A_102 = tpu.memref_squeeze %dma_start3A_101 : memref<1x4x64xi32, #tpu.memory_space<hbm>> -> memref<4x64xi32, #tpu.memory_space<hbm>>
      tpu.enqueue_dma source(%dma_start3A_102 : memref<4x64xi32, #tpu.memory_space<hbm>>) target(%arg5 : memref<4x64xi32, #tpu.memory_space<vmem>>) target_semaphore(%run_scoped3A : memref<!tpu.dma_semaphore, #tpu.memory_space<semaphore_mem>>)
      %dma_wait3A_103 = arith.constant 0 : i32
      %dma_wait3A_104 = arith.constant 0 : i32
      %dma_wait3A_105 = tpu.memref_slice %arg3[%add3A, %dma_wait3A_103, %dma_wait3A_104] : memref<32x4x64xi32, #tpu.memory_space<hbm>> -> memref<1x4x64xi32, #tpu.memory_space<hbm>>
      %dma_wait3A_106 = tpu.memref_squeeze %dma_wait3A_105 : memref<1x4x64xi32, #tpu.memory_space<hbm>> -> memref<4x64xi32, #tpu.memory_space<hbm>>
      %dma_wait3A_107 = arith.constant 0 : i32
      %dma_wait3A_108 = arith.constant 0 : i32
      %dma_wait3A_109 = tpu.memref_slice %arg3[%add3A, %dma_wait3A_107, %dma_wait3A_108] : memref<32x4x64xi32, #tpu.memory_space<hbm>> -> memref<1x4x64xi32, #tpu.memory_space<hbm>>
      %dma_wait3A_110 = tpu.memref_squeeze %dma_wait3A_109 : memref<1x4x64xi32, #tpu.memory_space<hbm>> -> memref<4x64xi32, #tpu.memory_space<hbm>>
      tpu.wait_dma2 semaphore(%run_scoped3A : memref<!tpu.dma_semaphore, #tpu.memory_space<semaphore_mem>>) src(%dma_wait3A_110 : memref<4x64xi32, #tpu.memory_space<hbm>>) dst(%arg5 : memref<4x64xi32, #tpu.memory_space<vmem>>)
      tpu.yield
    }) : () -> ()
    %dma_start3A = arith.constant 0 : i32
    %dma_start3A_3 = tpu.memref_slice %arg2[%mul3A_2, %dma_start3A] : memref<8192x384xi32, #tpu.memory_space<hbm>> -> memref<64x384xi32, #tpu.memory_space<hbm>>
    %dma_start3A_4 = arith.constant 0 : i32
    %dma_start3A_5 = tpu.memref_slice %arg2[%mul3A_2, %dma_start3A_4] : memref<8192x384xi32, #tpu.memory_space<hbm>> -> memref<64x384xi32, #tpu.memory_space<hbm>>
    tpu.enqueue_dma source(%dma_start3A_5 : memref<64x384xi32, #tpu.memory_space<hbm>>) target(%arg6 : memref<64x384xi32, #tpu.memory_space<vmem>>) target_semaphore(%arg8 : memref<!tpu.dma_semaphore, #tpu.memory_space<semaphore_mem>>)
    %add3A_6 = arith.constant 64 : i32
    %add3A_7 = arith.addi %mul3A_2, %add3A_6 : i32
    %dma_start3A_8 = arith.constant 0 : i32
    %dma_start3A_9 = tpu.memref_slice %arg2[%add3A_7, %dma_start3A_8] : memref<8192x384xi32, #tpu.memory_space<hbm>> -> memref<64x384xi32, #tpu.memory_space<hbm>>
    %dma_start3A_10 = arith.constant 0 : i32
    %dma_start3A_11 = tpu.memref_slice %arg2[%add3A_7, %dma_start3A_10] : memref<8192x384xi32, #tpu.memory_space<hbm>> -> memref<64x384xi32, #tpu.memory_space<hbm>>
    tpu.enqueue_dma source(%dma_start3A_11 : memref<64x384xi32, #tpu.memory_space<hbm>>) target(%arg7 : memref<64x384xi32, #tpu.memory_space<vmem>>) target_semaphore(%arg9 : memref<!tpu.dma_semaphore, #tpu.memory_space<semaphore_mem>>)
    %dma_wait3A = arith.constant 0 : i32
    %dma_wait3A_12 = tpu.memref_slice %arg2[%mul3A_2, %dma_wait3A] : memref<8192x384xi32, #tpu.memory_space<hbm>> -> memref<64x384xi32, #tpu.memory_space<hbm>>
    %dma_wait3A_13 = arith.constant 0 : i32
    %dma_wait3A_14 = tpu.memref_slice %arg2[%mul3A_2, %dma_wait3A_13] : memref<8192x384xi32, #tpu.memory_space<hbm>> -> memref<64x384xi32, #tpu.memory_space<hbm>>
    tpu.wait_dma2 semaphore(%arg8 : memref<!tpu.dma_semaphore, #tpu.memory_space<semaphore_mem>>) src(%dma_wait3A_14 : memref<64x384xi32, #tpu.memory_space<hbm>>) dst(%arg6 : memref<64x384xi32, #tpu.memory_space<vmem>>)
    %dma_start3A_15 = arith.constant 0 : i32
    %dma_start3A_16 = arith.constant 0 : i32
    %dma_start3A_17 = tpu.memref_slice %arg5[%dma_start3A_15, %dma_start3A_16] : memref<4x64xi32, #tpu.memory_space<vmem>> -> memref<1x64xi32, #tpu.memory_space<vmem>>
    %dma_start3A_18 = tpu.memref_squeeze %dma_start3A_17 : memref<1x64xi32, #tpu.memory_space<vmem>> -> memref<64xi32, #tpu.memory_space<vmem>>
    %dma_start3A_19 = arith.constant 0 : i32
    %dma_start3A_20 = arith.constant 0 : i32
    %dma_start3A_21 = tpu.memref_slice %arg4[%dma_start3A_19, %dma_start3A_20] : memref<12288x384xi32, #tpu.memory_space<hbm>> -> memref<12288x384xi32, #tpu.memory_space<hbm>>
    tpu.enqueue_indirect_dma source(%arg6 : memref<64x384xi32, #tpu.memory_space<vmem>>) target(%dma_start3A_21 : memref<12288x384xi32, #tpu.memory_space<hbm>>) offsets(%dma_start3A_18 : memref<64xi32, #tpu.memory_space<vmem>>) semaphore(%arg10 : memref<!tpu.dma_semaphore, #tpu.memory_space<semaphore_mem>>)
    %dma_wait3A_22 = arith.constant 0 : i32
    %dma_wait3A_23 = arith.constant 0 : i32
    %dma_wait3A_24 = tpu.memref_slice %arg5[%dma_wait3A_22, %dma_wait3A_23] : memref<4x64xi32, #tpu.memory_space<vmem>> -> memref<1x64xi32, #tpu.memory_space<vmem>>
    %dma_wait3A_25 = tpu.memref_squeeze %dma_wait3A_24 : memref<1x64xi32, #tpu.memory_space<vmem>> -> memref<64xi32, #tpu.memory_space<vmem>>
    %dma_wait3A_26 = arith.constant 0 : i32
    %dma_wait3A_27 = arith.constant 0 : i32
    %dma_wait3A_28 = tpu.memref_slice %arg4[%dma_wait3A_26, %dma_wait3A_27] : memref<12288x384xi32, #tpu.memory_space<hbm>> -> memref<12288x384xi32, #tpu.memory_space<hbm>>
    tpu.wait_indirect_dma semaphore(%arg10 : memref<!tpu.dma_semaphore, #tpu.memory_space<semaphore_mem>>) src(%arg6 : memref<64x384xi32, #tpu.memory_space<vmem>>) dst(%dma_wait3A_28 : memref<12288x384xi32, #tpu.memory_space<hbm>>)
    %add3A_29 = arith.constant 128 : i32
    %add3A_30 = arith.addi %mul3A_2, %add3A_29 : i32
    %dma_start3A_31 = arith.constant 0 : i32
    %dma_start3A_32 = tpu.memref_slice %arg2[%add3A_30, %dma_start3A_31] : memref<8192x384xi32, #tpu.memory_space<hbm>> -> memref<64x384xi32, #tpu.memory_space<hbm>>
    %dma_start3A_33 = arith.constant 0 : i32
    %dma_start3A_34 = tpu.memref_slice %arg2[%add3A_30, %dma_start3A_33] : memref<8192x384xi32, #tpu.memory_space<hbm>> -> memref<64x384xi32, #tpu.memory_space<hbm>>
    tpu.enqueue_dma source(%dma_start3A_34 : memref<64x384xi32, #tpu.memory_space<hbm>>) target(%arg6 : memref<64x384xi32, #tpu.memory_space<vmem>>) target_semaphore(%arg8 : memref<!tpu.dma_semaphore, #tpu.memory_space<semaphore_mem>>)
    %dma_wait3A_35 = arith.constant 0 : i32
    %dma_wait3A_36 = tpu.memref_slice %arg2[%add3A_7, %dma_wait3A_35] : memref<8192x384xi32, #tpu.memory_space<hbm>> -> memref<64x384xi32, #tpu.memory_space<hbm>>
    %dma_wait3A_37 = arith.constant 0 : i32
    %dma_wait3A_38 = tpu.memref_slice %arg2[%add3A_7, %dma_wait3A_37] : memref<8192x384xi32, #tpu.memory_space<hbm>> -> memref<64x384xi32, #tpu.memory_space<hbm>>
    tpu.wait_dma2 semaphore(%arg9 : memref<!tpu.dma_semaphore, #tpu.memory_space<semaphore_mem>>) src(%dma_wait3A_38 : memref<64x384xi32, #tpu.memory_space<hbm>>) dst(%arg7 : memref<64x384xi32, #tpu.memory_space<vmem>>)
    %dma_start3A_39 = arith.constant 1 : i32
    %dma_start3A_40 = arith.constant 0 : i32
    %dma_start3A_41 = tpu.memref_slice %arg5[%dma_start3A_39, %dma_start3A_40] : memref<4x64xi32, #tpu.memory_space<vmem>> -> memref<1x64xi32, #tpu.memory_space<vmem>>
    %dma_start3A_42 = tpu.memref_squeeze %dma_start3A_41 : memref<1x64xi32, #tpu.memory_space<vmem>> -> memref<64xi32, #tpu.memory_space<vmem>>
    %dma_start3A_43 = arith.constant 0 : i32
    %dma_start3A_44 = arith.constant 0 : i32
    %dma_start3A_45 = tpu.memref_slice %arg4[%dma_start3A_43, %dma_start3A_44] : memref<12288x384xi32, #tpu.memory_space<hbm>> -> memref<12288x384xi32, #tpu.memory_space<hbm>>
    tpu.enqueue_indirect_dma source(%arg7 : memref<64x384xi32, #tpu.memory_space<vmem>>) target(%dma_start3A_45 : memref<12288x384xi32, #tpu.memory_space<hbm>>) offsets(%dma_start3A_42 : memref<64xi32, #tpu.memory_space<vmem>>) semaphore(%arg10 : memref<!tpu.dma_semaphore, #tpu.memory_space<semaphore_mem>>)
    %dma_wait3A_46 = arith.constant 1 : i32
    %dma_wait3A_47 = arith.constant 0 : i32
    %dma_wait3A_48 = tpu.memref_slice %arg5[%dma_wait3A_46, %dma_wait3A_47] : memref<4x64xi32, #tpu.memory_space<vmem>> -> memref<1x64xi32, #tpu.memory_space<vmem>>
    %dma_wait3A_49 = tpu.memref_squeeze %dma_wait3A_48 : memref<1x64xi32, #tpu.memory_space<vmem>> -> memref<64xi32, #tpu.memory_space<vmem>>
    %dma_wait3A_50 = arith.constant 0 : i32
    %dma_wait3A_51 = arith.constant 0 : i32
    %dma_wait3A_52 = tpu.memref_slice %arg4[%dma_wait3A_50, %dma_wait3A_51] : memref<12288x384xi32, #tpu.memory_space<hbm>> -> memref<12288x384xi32, #tpu.memory_space<hbm>>
    tpu.wait_indirect_dma semaphore(%arg10 : memref<!tpu.dma_semaphore, #tpu.memory_space<semaphore_mem>>) src(%arg7 : memref<64x384xi32, #tpu.memory_space<vmem>>) dst(%dma_wait3A_52 : memref<12288x384xi32, #tpu.memory_space<hbm>>)
    %add3A_53 = arith.constant 192 : i32
    %add3A_54 = arith.addi %mul3A_2, %add3A_53 : i32
    %dma_start3A_55 = arith.constant 0 : i32
    %dma_start3A_56 = tpu.memref_slice %arg2[%add3A_54, %dma_start3A_55] : memref<8192x384xi32, #tpu.memory_space<hbm>> -> memref<64x384xi32, #tpu.memory_space<hbm>>
    %dma_start3A_57 = arith.constant 0 : i32
    %dma_start3A_58 = tpu.memref_slice %arg2[%add3A_54, %dma_start3A_57] : memref<8192x384xi32, #tpu.memory_space<hbm>> -> memref<64x384xi32, #tpu.memory_space<hbm>>
    tpu.enqueue_dma source(%dma_start3A_58 : memref<64x384xi32, #tpu.memory_space<hbm>>) target(%arg7 : memref<64x384xi32, #tpu.memory_space<vmem>>) target_semaphore(%arg9 : memref<!tpu.dma_semaphore, #tpu.memory_space<semaphore_mem>>)
    %dma_wait3A_59 = arith.constant 0 : i32
    %dma_wait3A_60 = tpu.memref_slice %arg2[%add3A_30, %dma_wait3A_59] : memref<8192x384xi32, #tpu.memory_space<hbm>> -> memref<64x384xi32, #tpu.memory_space<hbm>>
    %dma_wait3A_61 = arith.constant 0 : i32
    %dma_wait3A_62 = tpu.memref_slice %arg2[%add3A_30, %dma_wait3A_61] : memref<8192x384xi32, #tpu.memory_space<hbm>> -> memref<64x384xi32, #tpu.memory_space<hbm>>
    tpu.wait_dma2 semaphore(%arg8 : memref<!tpu.dma_semaphore, #tpu.memory_space<semaphore_mem>>) src(%dma_wait3A_62 : memref<64x384xi32, #tpu.memory_space<hbm>>) dst(%arg6 : memref<64x384xi32, #tpu.memory_space<vmem>>)
    %dma_start3A_63 = arith.constant 2 : i32
    %dma_start3A_64 = arith.constant 0 : i32
    %dma_start3A_65 = tpu.memref_slice %arg5[%dma_start3A_63, %dma_start3A_64] : memref<4x64xi32, #tpu.memory_space<vmem>> -> memref<1x64xi32, #tpu.memory_space<vmem>>
    %dma_start3A_66 = tpu.memref_squeeze %dma_start3A_65 : memref<1x64xi32, #tpu.memory_space<vmem>> -> memref<64xi32, #tpu.memory_space<vmem>>
    %dma_start3A_67 = arith.constant 0 : i32
    %dma_start3A_68 = arith.constant 0 : i32
    %dma_start3A_69 = tpu.memref_slice %arg4[%dma_start3A_67, %dma_start3A_68] : memref<12288x384xi32, #tpu.memory_space<hbm>> -> memref<12288x384xi32, #tpu.memory_space<hbm>>
    tpu.enqueue_indirect_dma source(%arg6 : memref<64x384xi32, #tpu.memory_space<vmem>>) target(%dma_start3A_69 : memref<12288x384xi32, #tpu.memory_space<hbm>>) offsets(%dma_start3A_66 : memref<64xi32, #tpu.memory_space<vmem>>) semaphore(%arg10 : memref<!tpu.dma_semaphore, #tpu.memory_space<semaphore_mem>>)
    %dma_wait3A_70 = arith.constant 2 : i32
    %dma_wait3A_71 = arith.constant 0 : i32
    %dma_wait3A_72 = tpu.memref_slice %arg5[%dma_wait3A_70, %dma_wait3A_71] : memref<4x64xi32, #tpu.memory_space<vmem>> -> memref<1x64xi32, #tpu.memory_space<vmem>>
    %dma_wait3A_73 = tpu.memref_squeeze %dma_wait3A_72 : memref<1x64xi32, #tpu.memory_space<vmem>> -> memref<64xi32, #tpu.memory_space<vmem>>
    %dma_wait3A_74 = arith.constant 0 : i32
    %dma_wait3A_75 = arith.constant 0 : i32
    %dma_wait3A_76 = tpu.memref_slice %arg4[%dma_wait3A_74, %dma_wait3A_75] : memref<12288x384xi32, #tpu.memory_space<hbm>> -> memref<12288x384xi32, #tpu.memory_space<hbm>>
    tpu.wait_indirect_dma semaphore(%arg10 : memref<!tpu.dma_semaphore, #tpu.memory_space<semaphore_mem>>) src(%arg6 : memref<64x384xi32, #tpu.memory_space<vmem>>) dst(%dma_wait3A_76 : memref<12288x384xi32, #tpu.memory_space<hbm>>)
    %dma_wait3A_77 = arith.constant 0 : i32
    %dma_wait3A_78 = tpu.memref_slice %arg2[%add3A_54, %dma_wait3A_77] : memref<8192x384xi32, #tpu.memory_space<hbm>> -> memref<64x384xi32, #tpu.memory_space<hbm>>
    %dma_wait3A_79 = arith.constant 0 : i32
    %dma_wait3A_80 = tpu.memref_slice %arg2[%add3A_54, %dma_wait3A_79] : memref<8192x384xi32, #tpu.memory_space<hbm>> -> memref<64x384xi32, #tpu.memory_space<hbm>>
    tpu.wait_dma2 semaphore(%arg9 : memref<!tpu.dma_semaphore, #tpu.memory_space<semaphore_mem>>) src(%dma_wait3A_80 : memref<64x384xi32, #tpu.memory_space<hbm>>) dst(%arg7 : memref<64x384xi32, #tpu.memory_space<vmem>>)
    %dma_start3A_81 = arith.constant 3 : i32
    %dma_start3A_82 = arith.constant 0 : i32
    %dma_start3A_83 = tpu.memref_slice %arg5[%dma_start3A_81, %dma_start3A_82] : memref<4x64xi32, #tpu.memory_space<vmem>> -> memref<1x64xi32, #tpu.memory_space<vmem>>
    %dma_start3A_84 = tpu.memref_squeeze %dma_start3A_83 : memref<1x64xi32, #tpu.memory_space<vmem>> -> memref<64xi32, #tpu.memory_space<vmem>>
    %dma_start3A_85 = arith.constant 0 : i32
    %dma_start3A_86 = arith.constant 0 : i32
    %dma_start3A_87 = tpu.memref_slice %arg4[%dma_start3A_85, %dma_start3A_86] : memref<12288x384xi32, #tpu.memory_space<hbm>> -> memref<12288x384xi32, #tpu.memory_space<hbm>>
    tpu.enqueue_indirect_dma source(%arg7 : memref<64x384xi32, #tpu.memory_space<vmem>>) target(%dma_start3A_87 : memref<12288x384xi32, #tpu.memory_space<hbm>>) offsets(%dma_start3A_84 : memref<64xi32, #tpu.memory_space<vmem>>) semaphore(%arg10 : memref<!tpu.dma_semaphore, #tpu.memory_space<semaphore_mem>>)
    %dma_wait3A_88 = arith.constant 3 : i32
    %dma_wait3A_89 = arith.constant 0 : i32
    %dma_wait3A_90 = tpu.memref_slice %arg5[%dma_wait3A_88, %dma_wait3A_89] : memref<4x64xi32, #tpu.memory_space<vmem>> -> memref<1x64xi32, #tpu.memory_space<vmem>>
    %dma_wait3A_91 = tpu.memref_squeeze %dma_wait3A_90 : memref<1x64xi32, #tpu.memory_space<vmem>> -> memref<64xi32, #tpu.memory_space<vmem>>
    %dma_wait3A_92 = arith.constant 0 : i32
    %dma_wait3A_93 = arith.constant 0 : i32
    %dma_wait3A_94 = tpu.memref_slice %arg4[%dma_wait3A_92, %dma_wait3A_93] : memref<12288x384xi32, #tpu.memory_space<hbm>> -> memref<12288x384xi32, #tpu.memory_space<hbm>>
    tpu.wait_indirect_dma semaphore(%arg10 : memref<!tpu.dma_semaphore, #tpu.memory_space<semaphore_mem>>) src(%arg7 : memref<64x384xi32, #tpu.memory_space<vmem>>) dst(%dma_wait3A_94 : memref<12288x384xi32, #tpu.memory_space<hbm>>)
    return
  }
}

#map = affine_map<(d0, d1) -> (0, 0)>
#map1 = affine_map<(d0, d1) -> (0, 0, 0)>
module attributes {stable_mosaic.version = 14 : i64} {
  func.func @k(%arg0: i32, %arg1: i32, %arg2: memref<12288x768xf32, #tpu.memory_space<hbm>>, %arg3: memref<32x4x64xi32, #tpu.memory_space<hbm>>, %arg4: memref<8192x768xf32, #tpu.memory_space<hbm>>, %arg5: memref<4x64xi32, #tpu.memory_space<vmem>>, %arg6: memref<64x768xf32, #tpu.memory_space<vmem>>, %arg7: memref<64x768xf32, #tpu.memory_space<vmem>>, %arg8: memref<!tpu.dma_semaphore, #tpu.memory_space<semaphore_mem>>, %arg9: memref<!tpu.dma_semaphore, #tpu.memory_space<semaphore_mem>>) attributes {dimension_semantics = [#tpu.dimension_semantics<core_parallel>, #tpu.dimension_semantics<subcore_parallel>], iteration_bounds = array<i64: 2, 16>, scalar_prefetch = 0 : i64, scratch_operands = 5 : i64, tpu.core_type = #tpu.core_type<sc_vector_subcore>, window_params = [{transform_indices = #map}, {transform_indices = #map1}, {transform_indices = #map}]} {
    %mul3A = arith.constant 2 : i32
    %mul3A_0 = arith.muli %arg1, %mul3A : i32
    %add3A = arith.addi %mul3A_0, %arg0 : i32
    %mul3A_1 = arith.constant 256 : i32
    %mul3A_2 = arith.muli %add3A, %mul3A_1 : i32
    "tpu.region"() ({
      %run_scoped3A = tpu.sem_alloc : memref<!tpu.dma_semaphore, #tpu.memory_space<semaphore_mem>>
      %dma_start3A_65 = arith.constant 0 : i32
      %dma_start3A_66 = arith.constant 0 : i32
      %dma_start3A_67 = tpu.memref_slice %arg3[%add3A, %dma_start3A_65, %dma_start3A_66] : memref<32x4x64xi32, #tpu.memory_space<hbm>> -> memref<1x4x64xi32, #tpu.memory_space<hbm>>
      %dma_start3A_68 = tpu.memref_squeeze %dma_start3A_67 : memref<1x4x64xi32, #tpu.memory_space<hbm>> -> memref<4x64xi32, #tpu.memory_space<hbm>>
      %dma_start3A_69 = arith.constant 0 : i32
      %dma_start3A_70 = arith.constant 0 : i32
      %dma_start3A_71 = tpu.memref_slice %arg3[%add3A, %dma_start3A_69, %dma_start3A_70] : memref<32x4x64xi32, #tpu.memory_space<hbm>> -> memref<1x4x64xi32, #tpu.memory_space<hbm>>
      %dma_start3A_72 = tpu.memref_squeeze %dma_start3A_71 : memref<1x4x64xi32, #tpu.memory_space<hbm>> -> memref<4x64xi32, #tpu.memory_space<hbm>>
      tpu.enqueue_dma source(%dma_start3A_72 : memref<4x64xi32, #tpu.memory_space<hbm>>) target(%arg5 : memref<4x64xi32, #tpu.memory_space<vmem>>) target_semaphore(%run_scoped3A : memref<!tpu.dma_semaphore, #tpu.memory_space<semaphore_mem>>)
      %dma_wait3A_73 = arith.constant 0 : i32
      %dma_wait3A_74 = arith.constant 0 : i32
      %dma_wait3A_75 = tpu.memref_slice %arg3[%add3A, %dma_wait3A_73, %dma_wait3A_74] : memref<32x4x64xi32, #tpu.memory_space<hbm>> -> memref<1x4x64xi32, #tpu.memory_space<hbm>>
      %dma_wait3A_76 = tpu.memref_squeeze %dma_wait3A_75 : memref<1x4x64xi32, #tpu.memory_space<hbm>> -> memref<4x64xi32, #tpu.memory_space<hbm>>
      %dma_wait3A_77 = arith.constant 0 : i32
      %dma_wait3A_78 = arith.constant 0 : i32
      %dma_wait3A_79 = tpu.memref_slice %arg3[%add3A, %dma_wait3A_77, %dma_wait3A_78] : memref<32x4x64xi32, #tpu.memory_space<hbm>> -> memref<1x4x64xi32, #tpu.memory_space<hbm>>
      %dma_wait3A_80 = tpu.memref_squeeze %dma_wait3A_79 : memref<1x4x64xi32, #tpu.memory_space<hbm>> -> memref<4x64xi32, #tpu.memory_space<hbm>>
      tpu.wait_dma2 semaphore(%run_scoped3A : memref<!tpu.dma_semaphore, #tpu.memory_space<semaphore_mem>>) src(%dma_wait3A_80 : memref<4x64xi32, #tpu.memory_space<hbm>>) dst(%arg5 : memref<4x64xi32, #tpu.memory_space<vmem>>)
      tpu.yield
    }) : () -> ()
    %dma_start3A = arith.constant 0 : i32
    %dma_start3A_3 = arith.constant 0 : i32
    %dma_start3A_4 = tpu.memref_slice %arg5[%dma_start3A, %dma_start3A_3] : memref<4x64xi32, #tpu.memory_space<vmem>> -> memref<1x64xi32, #tpu.memory_space<vmem>>
    %dma_start3A_5 = tpu.memref_squeeze %dma_start3A_4 : memref<1x64xi32, #tpu.memory_space<vmem>> -> memref<64xi32, #tpu.memory_space<vmem>>
    %dma_start3A_6 = arith.constant 0 : i32
    %dma_start3A_7 = arith.constant 0 : i32
    %dma_start3A_8 = tpu.memref_slice %arg2[%dma_start3A_6, %dma_start3A_7] : memref<12288x768xf32, #tpu.memory_space<hbm>> -> memref<12288x768xf32, #tpu.memory_space<hbm>>
    tpu.enqueue_indirect_dma source(%dma_start3A_8 : memref<12288x768xf32, #tpu.memory_space<hbm>>) target(%arg6 : memref<64x768xf32, #tpu.memory_space<vmem>>) offsets(%dma_start3A_5 : memref<64xi32, #tpu.memory_space<vmem>>) semaphore(%arg8 : memref<!tpu.dma_semaphore, #tpu.memory_space<semaphore_mem>>)
    %dma_start3A_9 = arith.constant 1 : i32
    %dma_start3A_10 = arith.constant 0 : i32
    %dma_start3A_11 = tpu.memref_slice %arg5[%dma_start3A_9, %dma_start3A_10] : memref<4x64xi32, #tpu.memory_space<vmem>> -> memref<1x64xi32, #tpu.memory_space<vmem>>
    %dma_start3A_12 = tpu.memref_squeeze %dma_start3A_11 : memref<1x64xi32, #tpu.memory_space<vmem>> -> memref<64xi32, #tpu.memory_space<vmem>>
    %dma_start3A_13 = arith.constant 0 : i32
    %dma_start3A_14 = arith.constant 0 : i32
    %dma_start3A_15 = tpu.memref_slice %arg2[%dma_start3A_13, %dma_start3A_14] : memref<12288x768xf32, #tpu.memory_space<hbm>> -> memref<12288x768xf32, #tpu.memory_space<hbm>>
    tpu.enqueue_indirect_dma source(%dma_start3A_15 : memref<12288x768xf32, #tpu.memory_space<hbm>>) target(%arg7 : memref<64x768xf32, #tpu.memory_space<vmem>>) offsets(%dma_start3A_12 : memref<64xi32, #tpu.memory_space<vmem>>) semaphore(%arg9 : memref<!tpu.dma_semaphore, #tpu.memory_space<semaphore_mem>>)
    %dma_wait3A = arith.constant 0 : i32
    %dma_wait3A_16 = arith.constant 0 : i32
    %dma_wait3A_17 = tpu.memref_slice %arg5[%dma_wait3A, %dma_wait3A_16] : memref<4x64xi32, #tpu.memory_space<vmem>> -> memref<1x64xi32, #tpu.memory_space<vmem>>
    %dma_wait3A_18 = tpu.memref_squeeze %dma_wait3A_17 : memref<1x64xi32, #tpu.memory_space<vmem>> -> memref<64xi32, #tpu.memory_space<vmem>>
    %dma_wait3A_19 = arith.constant 0 : i32
    %dma_wait3A_20 = arith.constant 0 : i32
    %dma_wait3A_21 = tpu.memref_slice %arg2[%dma_wait3A_19, %dma_wait3A_20] : memref<12288x768xf32, #tpu.memory_space<hbm>> -> memref<12288x768xf32, #tpu.memory_space<hbm>>
    tpu.wait_indirect_dma semaphore(%arg8 : memref<!tpu.dma_semaphore, #tpu.memory_space<semaphore_mem>>) src(%dma_wait3A_21 : memref<12288x768xf32, #tpu.memory_space<hbm>>) dst(%arg6 : memref<64x768xf32, #tpu.memory_space<vmem>>)
    %add3A_22 = arith.constant 0 : i32
    %add3A_23 = arith.addi %mul3A_2, %add3A_22 : i32
    "tpu.region"() ({
      %run_scoped3A = tpu.sem_alloc : memref<!tpu.dma_semaphore, #tpu.memory_space<semaphore_mem>>
      %dma_start3A_65 = arith.constant 0 : i32
      %dma_start3A_66 = tpu.memref_slice %arg4[%add3A_23, %dma_start3A_65] : memref<8192x768xf32, #tpu.memory_space<hbm>> -> memref<64x768xf32, #tpu.memory_space<hbm>>
      %dma_start3A_67 = arith.constant 0 : i32
      %dma_start3A_68 = tpu.memref_slice %arg4[%add3A_23, %dma_start3A_67] : memref<8192x768xf32, #tpu.memory_space<hbm>> -> memref<64x768xf32, #tpu.memory_space<hbm>>
      tpu.enqueue_dma source(%arg6 : memref<64x768xf32, #tpu.memory_space<vmem>>) target(%dma_start3A_68 : memref<64x768xf32, #tpu.memory_space<hbm>>) target_semaphore(%run_scoped3A : memref<!tpu.dma_semaphore, #tpu.memory_space<semaphore_mem>>)
      %dma_wait3A_69 = arith.constant 0 : i32
      %dma_wait3A_70 = tpu.memref_slice %arg4[%add3A_23, %dma_wait3A_69] : memref<8192x768xf32, #tpu.memory_space<hbm>> -> memref<64x768xf32, #tpu.memory_space<hbm>>
      %dma_wait3A_71 = arith.constant 0 : i32
      %dma_wait3A_72 = tpu.memref_slice %arg4[%add3A_23, %dma_wait3A_71] : memref<8192x768xf32, #tpu.memory_space<hbm>> -> memref<64x768xf32, #tpu.memory_space<hbm>>
      tpu.wait_dma2 semaphore(%run_scoped3A : memref<!tpu.dma_semaphore, #tpu.memory_space<semaphore_mem>>) src(%arg6 : memref<64x768xf32, #tpu.memory_space<vmem>>) dst(%dma_wait3A_72 : memref<64x768xf32, #tpu.memory_space<hbm>>)
      tpu.yield
    }) : () -> ()
    %dma_start3A_24 = arith.constant 2 : i32
    %dma_start3A_25 = arith.constant 0 : i32
    %dma_start3A_26 = tpu.memref_slice %arg5[%dma_start3A_24, %dma_start3A_25] : memref<4x64xi32, #tpu.memory_space<vmem>> -> memref<1x64xi32, #tpu.memory_space<vmem>>
    %dma_start3A_27 = tpu.memref_squeeze %dma_start3A_26 : memref<1x64xi32, #tpu.memory_space<vmem>> -> memref<64xi32, #tpu.memory_space<vmem>>
    %dma_start3A_28 = arith.constant 0 : i32
    %dma_start3A_29 = arith.constant 0 : i32
    %dma_start3A_30 = tpu.memref_slice %arg2[%dma_start3A_28, %dma_start3A_29] : memref<12288x768xf32, #tpu.memory_space<hbm>> -> memref<12288x768xf32, #tpu.memory_space<hbm>>
    tpu.enqueue_indirect_dma source(%dma_start3A_30 : memref<12288x768xf32, #tpu.memory_space<hbm>>) target(%arg6 : memref<64x768xf32, #tpu.memory_space<vmem>>) offsets(%dma_start3A_27 : memref<64xi32, #tpu.memory_space<vmem>>) semaphore(%arg8 : memref<!tpu.dma_semaphore, #tpu.memory_space<semaphore_mem>>)
    %dma_wait3A_31 = arith.constant 1 : i32
    %dma_wait3A_32 = arith.constant 0 : i32
    %dma_wait3A_33 = tpu.memref_slice %arg5[%dma_wait3A_31, %dma_wait3A_32] : memref<4x64xi32, #tpu.memory_space<vmem>> -> memref<1x64xi32, #tpu.memory_space<vmem>>
    %dma_wait3A_34 = tpu.memref_squeeze %dma_wait3A_33 : memref<1x64xi32, #tpu.memory_space<vmem>> -> memref<64xi32, #tpu.memory_space<vmem>>
    %dma_wait3A_35 = arith.constant 0 : i32
    %dma_wait3A_36 = arith.constant 0 : i32
    %dma_wait3A_37 = tpu.memref_slice %arg2[%dma_wait3A_35, %dma_wait3A_36] : memref<12288x768xf32, #tpu.memory_space<hbm>> -> memref<12288x768xf32, #tpu.memory_space<hbm>>
    tpu.wait_indirect_dma semaphore(%arg9 : memref<!tpu.dma_semaphore, #tpu.memory_space<semaphore_mem>>) src(%dma_wait3A_37 : memref<12288x768xf32, #tpu.memory_space<hbm>>) dst(%arg7 : memref<64x768xf32, #tpu.memory_space<vmem>>)
    %add3A_38 = arith.constant 64 : i32
    %add3A_39 = arith.addi %mul3A_2, %add3A_38 : i32
    "tpu.region"() ({
      %run_scoped3A = tpu.sem_alloc : memref<!tpu.dma_semaphore, #tpu.memory_space<semaphore_mem>>
      %dma_start3A_65 = arith.constant 0 : i32
      %dma_start3A_66 = tpu.memref_slice %arg4[%add3A_39, %dma_start3A_65] : memref<8192x768xf32, #tpu.memory_space<hbm>> -> memref<64x768xf32, #tpu.memory_space<hbm>>
      %dma_start3A_67 = arith.constant 0 : i32
      %dma_start3A_68 = tpu.memref_slice %arg4[%add3A_39, %dma_start3A_67] : memref<8192x768xf32, #tpu.memory_space<hbm>> -> memref<64x768xf32, #tpu.memory_space<hbm>>
      tpu.enqueue_dma source(%arg7 : memref<64x768xf32, #tpu.memory_space<vmem>>) target(%dma_start3A_68 : memref<64x768xf32, #tpu.memory_space<hbm>>) target_semaphore(%run_scoped3A : memref<!tpu.dma_semaphore, #tpu.memory_space<semaphore_mem>>)
      %dma_wait3A_69 = arith.constant 0 : i32
      %dma_wait3A_70 = tpu.memref_slice %arg4[%add3A_39, %dma_wait3A_69] : memref<8192x768xf32, #tpu.memory_space<hbm>> -> memref<64x768xf32, #tpu.memory_space<hbm>>
      %dma_wait3A_71 = arith.constant 0 : i32
      %dma_wait3A_72 = tpu.memref_slice %arg4[%add3A_39, %dma_wait3A_71] : memref<8192x768xf32, #tpu.memory_space<hbm>> -> memref<64x768xf32, #tpu.memory_space<hbm>>
      tpu.wait_dma2 semaphore(%run_scoped3A : memref<!tpu.dma_semaphore, #tpu.memory_space<semaphore_mem>>) src(%arg7 : memref<64x768xf32, #tpu.memory_space<vmem>>) dst(%dma_wait3A_72 : memref<64x768xf32, #tpu.memory_space<hbm>>)
      tpu.yield
    }) : () -> ()
    %dma_start3A_40 = arith.constant 3 : i32
    %dma_start3A_41 = arith.constant 0 : i32
    %dma_start3A_42 = tpu.memref_slice %arg5[%dma_start3A_40, %dma_start3A_41] : memref<4x64xi32, #tpu.memory_space<vmem>> -> memref<1x64xi32, #tpu.memory_space<vmem>>
    %dma_start3A_43 = tpu.memref_squeeze %dma_start3A_42 : memref<1x64xi32, #tpu.memory_space<vmem>> -> memref<64xi32, #tpu.memory_space<vmem>>
    %dma_start3A_44 = arith.constant 0 : i32
    %dma_start3A_45 = arith.constant 0 : i32
    %dma_start3A_46 = tpu.memref_slice %arg2[%dma_start3A_44, %dma_start3A_45] : memref<12288x768xf32, #tpu.memory_space<hbm>> -> memref<12288x768xf32, #tpu.memory_space<hbm>>
    tpu.enqueue_indirect_dma source(%dma_start3A_46 : memref<12288x768xf32, #tpu.memory_space<hbm>>) target(%arg7 : memref<64x768xf32, #tpu.memory_space<vmem>>) offsets(%dma_start3A_43 : memref<64xi32, #tpu.memory_space<vmem>>) semaphore(%arg9 : memref<!tpu.dma_semaphore, #tpu.memory_space<semaphore_mem>>)
    %dma_wait3A_47 = arith.constant 2 : i32
    %dma_wait3A_48 = arith.constant 0 : i32
    %dma_wait3A_49 = tpu.memref_slice %arg5[%dma_wait3A_47, %dma_wait3A_48] : memref<4x64xi32, #tpu.memory_space<vmem>> -> memref<1x64xi32, #tpu.memory_space<vmem>>
    %dma_wait3A_50 = tpu.memref_squeeze %dma_wait3A_49 : memref<1x64xi32, #tpu.memory_space<vmem>> -> memref<64xi32, #tpu.memory_space<vmem>>
    %dma_wait3A_51 = arith.constant 0 : i32
    %dma_wait3A_52 = arith.constant 0 : i32
    %dma_wait3A_53 = tpu.memref_slice %arg2[%dma_wait3A_51, %dma_wait3A_52] : memref<12288x768xf32, #tpu.memory_space<hbm>> -> memref<12288x768xf32, #tpu.memory_space<hbm>>
    tpu.wait_indirect_dma semaphore(%arg8 : memref<!tpu.dma_semaphore, #tpu.memory_space<semaphore_mem>>) src(%dma_wait3A_53 : memref<12288x768xf32, #tpu.memory_space<hbm>>) dst(%arg6 : memref<64x768xf32, #tpu.memory_space<vmem>>)
    %add3A_54 = arith.constant 128 : i32
    %add3A_55 = arith.addi %mul3A_2, %add3A_54 : i32
    "tpu.region"() ({
      %run_scoped3A = tpu.sem_alloc : memref<!tpu.dma_semaphore, #tpu.memory_space<semaphore_mem>>
      %dma_start3A_65 = arith.constant 0 : i32
      %dma_start3A_66 = tpu.memref_slice %arg4[%add3A_55, %dma_start3A_65] : memref<8192x768xf32, #tpu.memory_space<hbm>> -> memref<64x768xf32, #tpu.memory_space<hbm>>
      %dma_start3A_67 = arith.constant 0 : i32
      %dma_start3A_68 = tpu.memref_slice %arg4[%add3A_55, %dma_start3A_67] : memref<8192x768xf32, #tpu.memory_space<hbm>> -> memref<64x768xf32, #tpu.memory_space<hbm>>
      tpu.enqueue_dma source(%arg6 : memref<64x768xf32, #tpu.memory_space<vmem>>) target(%dma_start3A_68 : memref<64x768xf32, #tpu.memory_space<hbm>>) target_semaphore(%run_scoped3A : memref<!tpu.dma_semaphore, #tpu.memory_space<semaphore_mem>>)
      %dma_wait3A_69 = arith.constant 0 : i32
      %dma_wait3A_70 = tpu.memref_slice %arg4[%add3A_55, %dma_wait3A_69] : memref<8192x768xf32, #tpu.memory_space<hbm>> -> memref<64x768xf32, #tpu.memory_space<hbm>>
      %dma_wait3A_71 = arith.constant 0 : i32
      %dma_wait3A_72 = tpu.memref_slice %arg4[%add3A_55, %dma_wait3A_71] : memref<8192x768xf32, #tpu.memory_space<hbm>> -> memref<64x768xf32, #tpu.memory_space<hbm>>
      tpu.wait_dma2 semaphore(%run_scoped3A : memref<!tpu.dma_semaphore, #tpu.memory_space<semaphore_mem>>) src(%arg6 : memref<64x768xf32, #tpu.memory_space<vmem>>) dst(%dma_wait3A_72 : memref<64x768xf32, #tpu.memory_space<hbm>>)
      tpu.yield
    }) : () -> ()
    %dma_wait3A_56 = arith.constant 3 : i32
    %dma_wait3A_57 = arith.constant 0 : i32
    %dma_wait3A_58 = tpu.memref_slice %arg5[%dma_wait3A_56, %dma_wait3A_57] : memref<4x64xi32, #tpu.memory_space<vmem>> -> memref<1x64xi32, #tpu.memory_space<vmem>>
    %dma_wait3A_59 = tpu.memref_squeeze %dma_wait3A_58 : memref<1x64xi32, #tpu.memory_space<vmem>> -> memref<64xi32, #tpu.memory_space<vmem>>
    %dma_wait3A_60 = arith.constant 0 : i32
    %dma_wait3A_61 = arith.constant 0 : i32
    %dma_wait3A_62 = tpu.memref_slice %arg2[%dma_wait3A_60, %dma_wait3A_61] : memref<12288x768xf32, #tpu.memory_space<hbm>> -> memref<12288x768xf32, #tpu.memory_space<hbm>>
    tpu.wait_indirect_dma semaphore(%arg9 : memref<!tpu.dma_semaphore, #tpu.memory_space<semaphore_mem>>) src(%dma_wait3A_62 : memref<12288x768xf32, #tpu.memory_space<hbm>>) dst(%arg7 : memref<64x768xf32, #tpu.memory_space<vmem>>)
    %add3A_63 = arith.constant 192 : i32
    %add3A_64 = arith.addi %mul3A_2, %add3A_63 : i32
    "tpu.region"() ({
      %run_scoped3A = tpu.sem_alloc : memref<!tpu.dma_semaphore, #tpu.memory_space<semaphore_mem>>
      %dma_start3A_65 = arith.constant 0 : i32
      %dma_start3A_66 = tpu.memref_slice %arg4[%add3A_64, %dma_start3A_65] : memref<8192x768xf32, #tpu.memory_space<hbm>> -> memref<64x768xf32, #tpu.memory_space<hbm>>
      %dma_start3A_67 = arith.constant 0 : i32
      %dma_start3A_68 = tpu.memref_slice %arg4[%add3A_64, %dma_start3A_67] : memref<8192x768xf32, #tpu.memory_space<hbm>> -> memref<64x768xf32, #tpu.memory_space<hbm>>
      tpu.enqueue_dma source(%arg7 : memref<64x768xf32, #tpu.memory_space<vmem>>) target(%dma_start3A_68 : memref<64x768xf32, #tpu.memory_space<hbm>>) target_semaphore(%run_scoped3A : memref<!tpu.dma_semaphore, #tpu.memory_space<semaphore_mem>>)
      %dma_wait3A_69 = arith.constant 0 : i32
      %dma_wait3A_70 = tpu.memref_slice %arg4[%add3A_64, %dma_wait3A_69] : memref<8192x768xf32, #tpu.memory_space<hbm>> -> memref<64x768xf32, #tpu.memory_space<hbm>>
      %dma_wait3A_71 = arith.constant 0 : i32
      %dma_wait3A_72 = tpu.memref_slice %arg4[%add3A_64, %dma_wait3A_71] : memref<8192x768xf32, #tpu.memory_space<hbm>> -> memref<64x768xf32, #tpu.memory_space<hbm>>
      tpu.wait_dma2 semaphore(%run_scoped3A : memref<!tpu.dma_semaphore, #tpu.memory_space<semaphore_mem>>) src(%arg7 : memref<64x768xf32, #tpu.memory_space<vmem>>) dst(%dma_wait3A_72 : memref<64x768xf32, #tpu.memory_space<hbm>>)
      tpu.yield
    }) : () -> ()
    return
  }
}

module attributes {stable_mosaic.version = 14 : i64} {
  func.func @_dest_body(%arg0: i32, %arg1: memref<8x1xi32, #tpu.memory_space<vmem>>, %arg2: memref<8x1x1024xi32, #tpu.memory_space<vmem>>, %arg3: memref<8x1x1024xi32, #tpu.memory_space<vmem>>, %arg4: memref<8x1x1024xi32, #tpu.memory_space<vmem>>, %arg5: memref<1x24xi32, #tpu.memory_space<vmem>>, %arg6: memref<1x24xi32, #tpu.memory_space<vmem>>, %arg7: memref<1x24xi32, #tpu.memory_space<vmem>>) attributes {dimension_semantics = [#tpu.dimension_semantics<arbitrary>], iteration_bounds = array<i64: 1>, scalar_prefetch = 0 : i64, scratch_operands = 0 : i64, tpu.core_type = #tpu.core_type<tc>, window_params = [{pipeline_mode = #tpu.pipeline_mode<synchronous>, transform_indices = @transform_0, window_bounds = array<i64: 8, 1>}, {pipeline_mode = #tpu.pipeline_mode<synchronous>, transform_indices = @transform_1, window_bounds = array<i64: 8, 1, 1024>}, {pipeline_mode = #tpu.pipeline_mode<synchronous>, transform_indices = @transform_2, window_bounds = array<i64: 8, 1, 1024>}, {pipeline_mode = #tpu.pipeline_mode<synchronous>, transform_indices = @transform_3, window_bounds = array<i64: 8, 1, 1024>}, {pipeline_mode = #tpu.pipeline_mode<synchronous>, transform_indices = @transform_4, window_bounds = array<i64: 1, 24>}, {pipeline_mode = #tpu.pipeline_mode<synchronous>, transform_indices = @transform_5, window_bounds = array<i64: 1, 24>}, {pipeline_mode = #tpu.pipeline_mode<synchronous>, transform_indices = @transform_6, window_bounds = array<i64: 1, 24>}]} {
    %get3A = arith.constant 0 : index
    %get3A_0 = arith.constant 0 : index
    %get3A_1 = vector.load %arg1[%get3A, %get3A_0] : memref<8x1xi32, #tpu.memory_space<vmem>>, vector<8x1xi32>
    %convert_element_type3A = arith.sitofp %get3A_1 : vector<8x1xi32> to vector<8x1xf32>
    %add3A = arith.constant 511 : i32
    %add3A_2 = vector.broadcast %add3A : i32 to vector<8x1xi32>
    %add3A_3 = arith.addi %get3A_1, %add3A_2 : vector<8x1xi32>
    %jit3A = arith.constant 512 : i32
    %div3A = vector.broadcast %jit3A : i32 to vector<8x1xi32>
    %div3A_4 = arith.divsi %add3A_3, %div3A : vector<8x1xi32>
    %sign3A = arith.constant 0 : i32
    %sign3A_5 = vector.broadcast %sign3A : i32 to vector<8x1xi32>
    %sign3A_6 = arith.cmpi sgt, %add3A_3, %sign3A_5 : vector<8x1xi32>
    %sign3A_7 = arith.extui %sign3A_6 : vector<8x1xi1> to vector<8x1xi32>
    %sign3A_8 = arith.constant 0 : i32
    %sign3A_9 = vector.broadcast %sign3A_8 : i32 to vector<8x1xi32>
    %sign3A_10 = arith.cmpi slt, %add3A_3, %sign3A_9 : vector<8x1xi32>
    %sign3A_11 = arith.extui %sign3A_10 : vector<8x1xi1> to vector<8x1xi32>
    %sign3A_12 = arith.subi %sign3A_7, %sign3A_11 : vector<8x1xi32>
    %sign3A_13 = arith.constant 0 : i32
    %sign3A_14 = arith.cmpi sgt, %jit3A, %sign3A_13 : i32
    %sign3A_15 = arith.extui %sign3A_14 : i1 to i32
    %sign3A_16 = arith.constant 0 : i32
    %sign3A_17 = arith.cmpi slt, %jit3A, %sign3A_16 : i32
    %sign3A_18 = arith.extui %sign3A_17 : i1 to i32
    %sign3A_19 = arith.subi %sign3A_15, %sign3A_18 : i32
    %ne3A = vector.broadcast %sign3A_19 : i32 to vector<8x1xi32>
    %ne3A_20 = arith.cmpi ne, %sign3A_12, %ne3A : vector<8x1xi32>
    %rem3A = vector.broadcast %jit3A : i32 to vector<8x1xi32>
    %rem3A_21 = arith.remsi %add3A_3, %rem3A : vector<8x1xi32>
    %ne3A_22 = arith.constant 0 : i32
    %ne3A_23 = vector.broadcast %ne3A_22 : i32 to vector<8x1xi32>
    %ne3A_24 = arith.cmpi ne, %rem3A_21, %ne3A_23 : vector<8x1xi32>
    %and3A = arith.andi %ne3A_20, %ne3A_24 : vector<8x1xi1>
    %sub3A = arith.constant 1 : i32
    %sub3A_25 = vector.broadcast %sub3A : i32 to vector<8x1xi32>
    %sub3A_26 = arith.subi %div3A_4, %sub3A_25 : vector<8x1xi32>
    %select_n3A = arith.select %and3A, %sub3A_26, %div3A_4 : vector<8x1xi1>, vector<8x1xi32>
    %mul3A = arith.constant 512 : i32
    %mul3A_27 = vector.broadcast %mul3A : i32 to vector<8x1xi32>
    %mul3A_28 = arith.muli %select_n3A, %mul3A_27 : vector<8x1xi32>
    %convert_element_type3A_29 = arith.sitofp %mul3A_28 : vector<8x1xi32> to vector<8x1xf32>
    %iota3A = tpu.iota {dimensions = array<i32: 0>} : vector<8x8xi32>
    %iota3A_30 = tpu.iota {dimensions = array<i32: 1>} : vector<8x8xi32>
    %lt3A = arith.cmpi slt, %iota3A_30, %iota3A : vector<8x8xi32>
    %convert_element_type3A_31 = arith.extui %lt3A : vector<8x8xi1> to vector<8x8xi32>
    %convert_element_type3A_32 = arith.sitofp %convert_element_type3A_31 : vector<8x8xi32> to vector<8x8xf32>
    %dot_general3A = arith.constant dense<0.000000e+00> : vector<8x1xf32>
    %dot_general3A_33 = tpu.matmul %convert_element_type3A_32, %convert_element_type3A_29, %dot_general3A {dimension_numbers = #tpu.dot_dimension_numbers<[1], [0], [0], [1], [0, 0, 1, 1], [], []>, transpose_lhs_hint = false} : vector<8x8xf32>, vector<8x1xf32>, vector<8x1xf32> -> vector<8x1xf32>
    %add3A_34 = arith.addf %dot_general3A_33, %convert_element_type3A_29 : vector<8x1xf32>
    %iota3A_35 = tpu.iota {dimensions = array<i32: 1>} : vector<1x24xi32>
    %mul3A_36 = arith.constant 512 : i32
    %mul3A_37 = vector.broadcast %mul3A_36 : i32 to vector<1x24xi32>
    %mul3A_38 = arith.muli %iota3A_35, %mul3A_37 : vector<1x24xi32>
    %convert_element_type3A_39 = arith.sitofp %mul3A_38 : vector<1x24xi32> to vector<1x24xf32>
    %ge3A = vector.broadcast %convert_element_type3A_39 : vector<1x24xf32> to vector<8x24xf32>
    %ge3A_40 = vector.broadcast %add3A_34 : vector<8x1xf32> to vector<8x24xf32>
    %ge3A_41 = arith.cmpf oge, %ge3A, %ge3A_40 : vector<8x24xf32>
    %convert_element_type3A_42 = arith.extui %ge3A_41 : vector<8x24xi1> to vector<8x24xi32>
    %convert_element_type3A_43 = arith.sitofp %convert_element_type3A_42 : vector<8x24xi32> to vector<8x24xf32>
    %reduce_sum3A = arith.constant dense<0.000000e+00> : vector<24xf32>
    %reduce_sum3A_44 = vector.multi_reduction <add>, %convert_element_type3A_43, %reduce_sum3A [0] : vector<8x24xf32> to vector<24xf32>
    %broadcast_in_dim3A = vector.shape_cast %reduce_sum3A_44 : vector<24xf32> to vector<1x24xf32>
    %min3A = arith.constant 7.000000e+00 : f32
    %min3A_45 = vector.broadcast %min3A : f32 to vector<1x24xf32>
    %min3A_46 = arith.minimumf %broadcast_in_dim3A, %min3A_45 : vector<1x24xf32>
    %iota3A_47 = tpu.iota {dimensions = array<i32: 0>} : vector<8x24xi32>
    %convert_element_type3A_48 = arith.fptosi %min3A_46 : vector<1x24xf32> to vector<1x24xi32>
    %eq3A = vector.broadcast %convert_element_type3A_48 : vector<1x24xi32> to vector<8x24xi32>
    %eq3A_49 = arith.cmpi eq, %iota3A_47, %eq3A : vector<8x24xi32>
    %jit3A_50 = arith.constant 0.000000e+00 : f32
    %broadcast_in_dim3A_51 = vector.shape_cast %dot_general3A_33 : vector<8x1xf32> to vector<8x1xf32>
    %broadcast_in_dim3A_52 = vector.broadcast %broadcast_in_dim3A_51 : vector<8x1xf32> to vector<8x24xf32>
    %broadcast_in_dim3A_53 = vector.broadcast %jit3A_50 : f32 to vector<8x24xf32>
    %select_n3A_54 = arith.select %eq3A_49, %broadcast_in_dim3A_52, %broadcast_in_dim3A_53 : vector<8x24xi1>, vector<8x24xf32>
    %reduce_sum3A_55 = arith.constant dense<0.000000e+00> : vector<24xf32>
    %reduce_sum3A_56 = vector.multi_reduction <add>, %select_n3A_54, %reduce_sum3A_55 [0] : vector<8x24xf32> to vector<24xf32>
    %broadcast_in_dim3A_57 = vector.shape_cast %reduce_sum3A_56 : vector<24xf32> to vector<1x24xf32>
    %jit3A_58 = arith.constant 0.000000e+00 : f32
    %broadcast_in_dim3A_59 = vector.shape_cast %convert_element_type3A : vector<8x1xf32> to vector<8x1xf32>
    %broadcast_in_dim3A_60 = vector.broadcast %broadcast_in_dim3A_59 : vector<8x1xf32> to vector<8x24xf32>
    %broadcast_in_dim3A_61 = vector.broadcast %jit3A_58 : f32 to vector<8x24xf32>
    %select_n3A_62 = arith.select %eq3A_49, %broadcast_in_dim3A_60, %broadcast_in_dim3A_61 : vector<8x24xi1>, vector<8x24xf32>
    %reduce_sum3A_63 = arith.constant dense<0.000000e+00> : vector<24xf32>
    %reduce_sum3A_64 = vector.multi_reduction <add>, %select_n3A_62, %reduce_sum3A_63 [0] : vector<8x24xf32> to vector<24xf32>
    %broadcast_in_dim3A_65 = vector.shape_cast %reduce_sum3A_64 : vector<24xf32> to vector<1x24xf32>
    %sub3A_66 = arith.subf %convert_element_type3A_39, %broadcast_in_dim3A_57 : vector<1x24xf32>
    %lt3A_67 = arith.constant 8.000000e+00 : f32
    %lt3A_68 = vector.broadcast %lt3A_67 : f32 to vector<1x24xf32>
    %lt3A_69 = arith.cmpf olt, %broadcast_in_dim3A, %lt3A_68 : vector<1x24xf32>
    %lt3A_70 = arith.cmpf olt, %sub3A_66, %broadcast_in_dim3A_65 : vector<1x24xf32>
    %and3A_71 = arith.andi %lt3A_69, %lt3A_70 : vector<1x24xi1>
    %eq3A_72 = arith.constant 0.000000e+00 : f32
    %eq3A_73 = vector.broadcast %eq3A_72 : f32 to vector<1x24xf32>
    %eq3A_74 = arith.cmpf oeq, %sub3A_66, %eq3A_73 : vector<1x24xf32>
    %and3A_75 = arith.andi %and3A_71, %eq3A_74 : vector<1x24xi1>
    %convert_element_type3A_76 = arith.fptosi %min3A_46 : vector<1x24xf32> to vector<1x24xi32>
    %swap3A = arith.constant 0 : index
    %swap3A_77 = arith.constant 0 : index
    %swap3A_78 = vector.load %arg5[%swap3A, %swap3A_77] : memref<1x24xi32, #tpu.memory_space<vmem>>, vector<1x24xi32>
    tpu.vector_store %arg5[%swap3A, %swap3A_77], %convert_element_type3A_76 {strides = array<i32>} : memref<1x24xi32, #tpu.memory_space<vmem>>, vector<1x24xi32>,
    %convert_element_type3A_79 = arith.extui %and3A_71 : vector<1x24xi1> to vector<1x24xi32>
    %swap3A_80 = arith.constant 0 : index
    %swap3A_81 = arith.constant 0 : index
    %swap3A_82 = vector.load %arg6[%swap3A_80, %swap3A_81] : memref<1x24xi32, #tpu.memory_space<vmem>>, vector<1x24xi32>
    tpu.vector_store %arg6[%swap3A_80, %swap3A_81], %convert_element_type3A_79 {strides = array<i32>} : memref<1x24xi32, #tpu.memory_space<vmem>>, vector<1x24xi32>,
    %convert_element_type3A_83 = arith.extui %and3A_75 : vector<1x24xi1> to vector<1x24xi32>
    %swap3A_84 = arith.constant 0 : index
    %swap3A_85 = arith.constant 0 : index
    %swap3A_86 = vector.load %arg7[%swap3A_84, %swap3A_85] : memref<1x24xi32, #tpu.memory_space<vmem>>, vector<1x24xi32>
    tpu.vector_store %arg7[%swap3A_84, %swap3A_85], %convert_element_type3A_83 {strides = array<i32>} : memref<1x24xi32, #tpu.memory_space<vmem>>, vector<1x24xi32>,
    %get3A_87 = arith.constant 0 : index
    %get3A_88 = arith.constant 0 : index
    %get3A_89 = arith.constant 0 : index
    %get3A_90 = vector.load %arg2[%get3A_87, %get3A_88, %get3A_89] : memref<8x1x1024xi32, #tpu.memory_space<vmem>>, vector<8x1x1024xi32>
    %broadcast_in_dim3A_91 = arith.constant 0.000000e+00 : f32
    %broadcast_in_dim3A_92 = vector.broadcast %broadcast_in_dim3A_91 : f32 to vector<8x1x1024xf32>
    %eq3A_93 = arith.constant 0 : i32
    %eq3A_94 = vector.broadcast %eq3A_93 : i32 to vector<8x1x1024xi32>
    %eq3A_95 = arith.cmpi eq, %get3A_90, %eq3A_94 : vector<8x1x1024xi32>
    %slice3A = vector.extract_strided_slice %dot_general3A_33 {offsets = [0, 0], sizes = [1, 1], strides = [1, 1]} : vector<8x1xf32> to vector<1x1xf32>
    %squeeze3A = vector.extract %slice3A[0, 0] : f32 from vector<1x1xf32>
    %broadcast_in_dim3A_96 = vector.broadcast %squeeze3A : f32 to vector<8x1x1024xf32>
    %select_n3A_97 = arith.select %eq3A_95, %broadcast_in_dim3A_96, %broadcast_in_dim3A_92 : vector<8x1x1024xi1>, vector<8x1x1024xf32>
    %eq3A_98 = arith.constant 1 : i32
    %eq3A_99 = vector.broadcast %eq3A_98 : i32 to vector<8x1x1024xi32>
    %eq3A_100 = arith.cmpi eq, %get3A_90, %eq3A_99 : vector<8x1x1024xi32>
    %slice3A_101 = vector.extract_strided_slice %dot_general3A_33 {offsets = [1, 0], sizes = [1, 1], strides = [1, 1]} : vector<8x1xf32> to vector<1x1xf32>
    %squeeze3A_102 = vector.extract %slice3A_101[0, 0] : f32 from vector<1x1xf32>
    %broadcast_in_dim3A_103 = vector.broadcast %squeeze3A_102 : f32 to vector<8x1x1024xf32>
    %select_n3A_104 = arith.select %eq3A_100, %broadcast_in_dim3A_103, %select_n3A_97 : vector<8x1x1024xi1>, vector<8x1x1024xf32>
    %eq3A_105 = arith.constant 2 : i32
    %eq3A_106 = vector.broadcast %eq3A_105 : i32 to vector<8x1x1024xi32>
    %eq3A_107 = arith.cmpi eq, %get3A_90, %eq3A_106 : vector<8x1x1024xi32>
    %slice3A_108 = vector.extract_strided_slice %dot_general3A_33 {offsets = [2, 0], sizes = [1, 1], strides = [1, 1]} : vector<8x1xf32> to vector<1x1xf32>
    %squeeze3A_109 = vector.extract %slice3A_108[0, 0] : f32 from vector<1x1xf32>
    %broadcast_in_dim3A_110 = vector.broadcast %squeeze3A_109 : f32 to vector<8x1x1024xf32>
    %select_n3A_111 = arith.select %eq3A_107, %broadcast_in_dim3A_110, %select_n3A_104 : vector<8x1x1024xi1>, vector<8x1x1024xf32>
    %eq3A_112 = arith.constant 3 : i32
    %eq3A_113 = vector.broadcast %eq3A_112 : i32 to vector<8x1x1024xi32>
    %eq3A_114 = arith.cmpi eq, %get3A_90, %eq3A_113 : vector<8x1x1024xi32>
    %slice3A_115 = vector.extract_strided_slice %dot_general3A_33 {offsets = [3, 0], sizes = [1, 1], strides = [1, 1]} : vector<8x1xf32> to vector<1x1xf32>
    %squeeze3A_116 = vector.extract %slice3A_115[0, 0] : f32 from vector<1x1xf32>
    %broadcast_in_dim3A_117 = vector.broadcast %squeeze3A_116 : f32 to vector<8x1x1024xf32>
    %select_n3A_118 = arith.select %eq3A_114, %broadcast_in_dim3A_117, %select_n3A_111 : vector<8x1x1024xi1>, vector<8x1x1024xf32>
    %eq3A_119 = arith.constant 4 : i32
    %eq3A_120 = vector.broadcast %eq3A_119 : i32 to vector<8x1x1024xi32>
    %eq3A_121 = arith.cmpi eq, %get3A_90, %eq3A_120 : vector<8x1x1024xi32>
    %slice3A_122 = vector.extract_strided_slice %dot_general3A_33 {offsets = [4, 0], sizes = [1, 1], strides = [1, 1]} : vector<8x1xf32> to vector<1x1xf32>
    %squeeze3A_123 = vector.extract %slice3A_122[0, 0] : f32 from vector<1x1xf32>
    %broadcast_in_dim3A_124 = vector.broadcast %squeeze3A_123 : f32 to vector<8x1x1024xf32>
    %select_n3A_125 = arith.select %eq3A_121, %broadcast_in_dim3A_124, %select_n3A_118 : vector<8x1x1024xi1>, vector<8x1x1024xf32>
    %eq3A_126 = arith.constant 5 : i32
    %eq3A_127 = vector.broadcast %eq3A_126 : i32 to vector<8x1x1024xi32>
    %eq3A_128 = arith.cmpi eq, %get3A_90, %eq3A_127 : vector<8x1x1024xi32>
    %slice3A_129 = vector.extract_strided_slice %dot_general3A_33 {offsets = [5, 0], sizes = [1, 1], strides = [1, 1]} : vector<8x1xf32> to vector<1x1xf32>
    %squeeze3A_130 = vector.extract %slice3A_129[0, 0] : f32 from vector<1x1xf32>
    %broadcast_in_dim3A_131 = vector.broadcast %squeeze3A_130 : f32 to vector<8x1x1024xf32>
    %select_n3A_132 = arith.select %eq3A_128, %broadcast_in_dim3A_131, %select_n3A_125 : vector<8x1x1024xi1>, vector<8x1x1024xf32>
    %eq3A_133 = arith.constant 6 : i32
    %eq3A_134 = vector.broadcast %eq3A_133 : i32 to vector<8x1x1024xi32>
    %eq3A_135 = arith.cmpi eq, %get3A_90, %eq3A_134 : vector<8x1x1024xi32>
    %slice3A_136 = vector.extract_strided_slice %dot_general3A_33 {offsets = [6, 0], sizes = [1, 1], strides = [1, 1]} : vector<8x1xf32> to vector<1x1xf32>
    %squeeze3A_137 = vector.extract %slice3A_136[0, 0] : f32 from vector<1x1xf32>
    %broadcast_in_dim3A_138 = vector.broadcast %squeeze3A_137 : f32 to vector<8x1x1024xf32>
    %select_n3A_139 = arith.select %eq3A_135, %broadcast_in_dim3A_138, %select_n3A_132 : vector<8x1x1024xi1>, vector<8x1x1024xf32>
    %eq3A_140 = arith.constant 7 : i32
    %eq3A_141 = vector.broadcast %eq3A_140 : i32 to vector<8x1x1024xi32>
    %eq3A_142 = arith.cmpi eq, %get3A_90, %eq3A_141 : vector<8x1x1024xi32>
    %slice3A_143 = vector.extract_strided_slice %dot_general3A_33 {offsets = [7, 0], sizes = [1, 1], strides = [1, 1]} : vector<8x1xf32> to vector<1x1xf32>
    %squeeze3A_144 = vector.extract %slice3A_143[0, 0] : f32 from vector<1x1xf32>
    %broadcast_in_dim3A_145 = vector.broadcast %squeeze3A_144 : f32 to vector<8x1x1024xf32>
    %select_n3A_146 = arith.select %eq3A_142, %broadcast_in_dim3A_145, %select_n3A_139 : vector<8x1x1024xi1>, vector<8x1x1024xf32>
    %convert_element_type3A_147 = arith.fptosi %select_n3A_146 : vector<8x1x1024xf32> to vector<8x1x1024xi32>
    %get3A_148 = arith.constant 0 : index
    %get3A_149 = arith.constant 0 : index
    %get3A_150 = arith.constant 0 : index
    %get3A_151 = vector.load %arg3[%get3A_148, %get3A_149, %get3A_150] : memref<8x1x1024xi32, #tpu.memory_space<vmem>>, vector<8x1x1024xi32>
    %add3A_152 = arith.addi %convert_element_type3A_147, %get3A_151 : vector<8x1x1024xi32>
    %swap3A_153 = arith.constant 0 : index
    %swap3A_154 = arith.constant 0 : index
    %swap3A_155 = arith.constant 0 : index
    %swap3A_156 = vector.load %arg4[%swap3A_153, %swap3A_154, %swap3A_155] : memref<8x1x1024xi32, #tpu.memory_space<vmem>>, vector<8x1x1024xi32>
    tpu.vector_store %arg4[%swap3A_153, %swap3A_154, %swap3A_155], %add3A_152 {strides = array<i32>} : memref<8x1x1024xi32, #tpu.memory_space<vmem>>, vector<8x1x1024xi32>,
    return
  }
  func.func @transform_0(%arg0: i32) -> (i32, i32) {
    %c0_i32 = arith.constant 0 : i32
    %c0_i32_0 = arith.constant 0 : i32
    %c0_i32_1 = arith.constant 0 : i32
    return %c0_i32, %c0_i32_0 : i32, i32
  }
  func.func @transform_1(%arg0: i32) -> (i32, i32, i32) {
    %c0_i32 = arith.constant 0 : i32
    %c0_i32_0 = arith.constant 0 : i32
    %c0_i32_1 = arith.constant 0 : i32
    %c0_i32_2 = arith.constant 0 : i32
    return %c0_i32, %c0_i32_0, %c0_i32_1 : i32, i32, i32
  }
  func.func @transform_2(%arg0: i32) -> (i32, i32, i32) {
    %c0_i32 = arith.constant 0 : i32
    %c0_i32_0 = arith.constant 0 : i32
    %c0_i32_1 = arith.constant 0 : i32
    %c0_i32_2 = arith.constant 0 : i32
    return %c0_i32, %c0_i32_0, %c0_i32_1 : i32, i32, i32
  }
  func.func @transform_3(%arg0: i32) -> (i32, i32, i32) {
    %c0_i32 = arith.constant 0 : i32
    %c0_i32_0 = arith.constant 0 : i32
    %c0_i32_1 = arith.constant 0 : i32
    %c0_i32_2 = arith.constant 0 : i32
    return %c0_i32, %c0_i32_0, %c0_i32_1 : i32, i32, i32
  }
  func.func @transform_4(%arg0: i32) -> (i32, i32) {
    %c0_i32 = arith.constant 0 : i32
    %c0_i32_0 = arith.constant 0 : i32
    %c0_i32_1 = arith.constant 0 : i32
    return %c0_i32, %c0_i32_0 : i32, i32
  }
  func.func @transform_5(%arg0: i32) -> (i32, i32) {
    %c0_i32 = arith.constant 0 : i32
    %c0_i32_0 = arith.constant 0 : i32
    %c0_i32_1 = arith.constant 0 : i32
    return %c0_i32, %c0_i32_0 : i32, i32
  }
  func.func @transform_6(%arg0: i32) -> (i32, i32) {
    %c0_i32 = arith.constant 0 : i32
    %c0_i32_0 = arith.constant 0 : i32
    %c0_i32_1 = arith.constant 0 : i32
    return %c0_i32, %c0_i32_0 : i32, i32
  }
}

module attributes {stable_mosaic.version = 14 : i64} {
  func.func @_router_body(%arg0: i32, %arg1: memref<1024x768xf32, #tpu.memory_space<vmem>>, %arg2: memref<768x256xf32, #tpu.memory_space<vmem>>, %arg3: memref<1x256xf32, #tpu.memory_space<vmem>>, %arg4: memref<256x8xf32, #tpu.memory_space<vmem>>, %arg5: memref<8x1xf32, #tpu.memory_space<vmem>>, %arg6: memref<1x1x1024xi32, #tpu.memory_space<vmem>>, %arg7: memref<1x1x1024xi32, #tpu.memory_space<vmem>>, %arg8: memref<8x1xi32, #tpu.memory_space<vmem>>, %arg9: memref<1024x384xi32, #tpu.memory_space<vmem>>, %arg10: memref<8x1xf32, #tpu.memory_space<vmem>>) attributes {dimension_semantics = [#tpu.dimension_semantics<arbitrary>], iteration_bounds = array<i64: 8>, scalar_prefetch = 0 : i64, scratch_operands = 1 : i64, tpu.core_type = #tpu.core_type<tc>, window_params = [{transform_indices = @transform_0, window_bounds = array<i64: 1024, 768>}, {pipeline_mode = #tpu.pipeline_mode<synchronous>, transform_indices = @transform_1, window_bounds = array<i64: 768, 256>}, {pipeline_mode = #tpu.pipeline_mode<synchronous>, transform_indices = @transform_2, window_bounds = array<i64: 1, 256>}, {pipeline_mode = #tpu.pipeline_mode<synchronous>, transform_indices = @transform_3, window_bounds = array<i64: 256, 8>}, {pipeline_mode = #tpu.pipeline_mode<synchronous>, transform_indices = @transform_4, window_bounds = array<i64: 8, 1>}, {transform_indices = @transform_5, window_bounds = array<i64: 1, 1, 1024>}, {transform_indices = @transform_6, window_bounds = array<i64: 1, 1, 1024>}, {pipeline_mode = #tpu.pipeline_mode<synchronous>, transform_indices = @transform_7, window_bounds = array<i64: 8, 1>}, {transform_indices = @transform_8, window_bounds = array<i64: 1024, 384>}]} {
    %eq3A = arith.constant 0 : i32
    %eq3A_0 = arith.cmpi eq, %arg0, %eq3A : i32
    %convert_element_type3A = arith.extui %eq3A_0 : i1 to i32
    %cond3A = arith.constant 0 : i32
    %cond3A_1 = arith.cmpi ne, %convert_element_type3A, %cond3A : i32
    scf.if %cond3A_1 {
      %broadcast_in_dim3A_148 = arith.constant 0.000000e+00 : f32
      %broadcast_in_dim3A_149 = vector.broadcast %broadcast_in_dim3A_148 : f32 to vector<8x1xf32>
      %swap3A_150 = arith.constant 0 : index
      %swap3A_151 = arith.constant 0 : index
      %swap3A_152 = vector.load %arg10[%swap3A_150, %swap3A_151] : memref<8x1xf32, #tpu.memory_space<vmem>>, vector<8x1xf32>
      tpu.vector_store %arg10[%swap3A_150, %swap3A_151], %broadcast_in_dim3A_149 {strides = array<i32>} : memref<8x1xf32, #tpu.memory_space<vmem>>, vector<8x1xf32>,
    } else {
    }
    %get3A = arith.constant 0 : index
    %get3A_2 = arith.constant 0 : index
    %get3A_3 = vector.load %arg1[%get3A, %get3A_2] : memref<1024x768xf32, #tpu.memory_space<vmem>>, vector<1024x768xf32>
    %get3A_4 = arith.constant 0 : index
    %get3A_5 = arith.constant 0 : index
    %get3A_6 = vector.load %arg2[%get3A_4, %get3A_5] : memref<768x256xf32, #tpu.memory_space<vmem>>, vector<768x256xf32>
    %dot_general3A = arith.constant dense<0.000000e+00> : vector<1024x256xf32>
    %dot_general3A_7 = tpu.matmul %get3A_3, %get3A_6, %dot_general3A {dimension_numbers = #tpu.dot_dimension_numbers<[1], [0], [0], [1], [0, 0, 1, 1], [], []>, transpose_lhs_hint = false} : vector<1024x768xf32>, vector<768x256xf32>, vector<1024x256xf32> -> vector<1024x256xf32>
    %get3A_8 = arith.constant 0 : index
    %get3A_9 = arith.constant 0 : index
    %get3A_10 = vector.load %arg3[%get3A_8, %get3A_9] : memref<1x256xf32, #tpu.memory_space<vmem>>, vector<1x256xf32>
    %add3A = vector.broadcast %get3A_10 : vector<1x256xf32> to vector<1024x256xf32>
    %add3A_11 = arith.addf %dot_general3A_7, %add3A : vector<1024x256xf32>
    %get3A_12 = arith.constant 0 : index
    %get3A_13 = arith.constant 0 : index
    %get3A_14 = vector.load %arg4[%get3A_12, %get3A_13] : memref<256x8xf32, #tpu.memory_space<vmem>>, vector<256x8xf32>
    %dot_general3A_15 = arith.constant dense<0.000000e+00> : vector<8x1024xf32>
    %dot_general3A_16 = tpu.matmul %get3A_14, %add3A_11, %dot_general3A_15 {dimension_numbers = #tpu.dot_dimension_numbers<[0], [1], [1], [0], [0, 1, 1, 0], [], []>, transpose_lhs_hint = false} : vector<256x8xf32>, vector<1024x256xf32>, vector<8x1024xf32> -> vector<8x1024xf32>
    %get3A_17 = arith.constant 0 : index
    %get3A_18 = arith.constant 0 : index
    %get3A_19 = vector.load %arg5[%get3A_17, %get3A_18] : memref<8x1xf32, #tpu.memory_space<vmem>>, vector<8x1xf32>
    %add3A_20 = vector.broadcast %get3A_19 : vector<8x1xf32> to vector<8x1024xf32>
    %add3A_21 = arith.addf %dot_general3A_16, %add3A_20 : vector<8x1024xf32>
    %reduce_max3A = arith.constant dense<0xFF800000> : vector<1024xf32>
    %reduce_max3A_22 = vector.multi_reduction <maximumf>, %add3A_21, %reduce_max3A [0] : vector<8x1024xf32> to vector<1024xf32>
    %broadcast_in_dim3A = vector.shape_cast %reduce_max3A_22 : vector<1024xf32> to vector<1x1024xf32>
    %iota3A = tpu.iota {dimensions = array<i32: 0>} : vector<8x1024xi32>
    %ge3A = vector.broadcast %broadcast_in_dim3A : vector<1x1024xf32> to vector<8x1024xf32>
    %ge3A_23 = arith.cmpf oge, %add3A_21, %ge3A : vector<8x1024xf32>
    %jit3A = arith.constant 8 : i32
    %broadcast_in_dim3A_24 = vector.broadcast %jit3A : i32 to vector<8x1024xi32>
    %select_n3A = arith.select %ge3A_23, %iota3A, %broadcast_in_dim3A_24 : vector<8x1024xi1>, vector<8x1024xi32>
    %reduce_min3A = arith.constant dense<2147483647> : vector<1024xi32>
    %reduce_min3A_25 = vector.multi_reduction <minsi>, %select_n3A, %reduce_min3A [0] : vector<8x1024xi32> to vector<1024xi32>
    %broadcast_in_dim3A_26 = vector.shape_cast %reduce_min3A_25 : vector<1024xi32> to vector<1x1024xi32>
    %eq3A_27 = vector.broadcast %broadcast_in_dim3A_26 : vector<1x1024xi32> to vector<8x1024xi32>
    %eq3A_28 = arith.cmpi eq, %iota3A, %eq3A_27 : vector<8x1024xi32>
    %convert_element_type3A_29 = arith.extui %eq3A_28 : vector<8x1024xi1> to vector<8x1024xi32>
    %convert_element_type3A_30 = arith.sitofp %convert_element_type3A_29 : vector<8x1024xi32> to vector<8x1024xf32>
    %iota3A_31 = tpu.iota {dimensions = array<i32: 0>} : vector<128x128xi32>
    %iota3A_32 = tpu.iota {dimensions = array<i32: 1>} : vector<128x128xi32>
    %lt3A = arith.cmpi slt, %iota3A_31, %iota3A_32 : vector<128x128xi32>
    %convert_element_type3A_33 = arith.extui %lt3A : vector<128x128xi1> to vector<128x128xi32>
    %convert_element_type3A_34 = arith.sitofp %convert_element_type3A_33 : vector<128x128xi32> to vector<128x128xf32>
    %get3A_35 = arith.constant 0 : index
    %get3A_36 = arith.constant 0 : index
    %get3A_37 = vector.load %arg10[%get3A_35, %get3A_36] : memref<8x1xf32, #tpu.memory_space<vmem>>, vector<8x1xf32>
    %slice3A = vector.extract_strided_slice %convert_element_type3A_30 {offsets = [0, 0], sizes = [8, 128], strides = [1, 1]} : vector<8x1024xf32> to vector<8x128xf32>
    %dot_general3A_38 = arith.constant dense<0.000000e+00> : vector<8x128xf32>
    %dot_general3A_39 = tpu.matmul %slice3A, %convert_element_type3A_34, %dot_general3A_38 {dimension_numbers = #tpu.dot_dimension_numbers<[1], [0], [0], [1], [0, 0, 1, 1], [], []>, transpose_lhs_hint = false} : vector<8x128xf32>, vector<128x128xf32>, vector<8x128xf32> -> vector<8x128xf32>
    %add3A_40 = vector.broadcast %get3A_37 : vector<8x1xf32> to vector<8x128xf32>
    %add3A_41 = arith.addf %dot_general3A_39, %add3A_40 : vector<8x128xf32>
    %reduce_sum3A = arith.constant dense<0.000000e+00> : vector<8xf32>
    %reduce_sum3A_42 = vector.multi_reduction <add>, %slice3A, %reduce_sum3A [1] : vector<8x128xf32> to vector<8xf32>
    %broadcast_in_dim3A_43 = vector.shape_cast %reduce_sum3A_42 : vector<8xf32> to vector<8x1xf32>
    %add3A_44 = arith.addf %get3A_37, %broadcast_in_dim3A_43 : vector<8x1xf32>
    %slice3A_45 = vector.extract_strided_slice %convert_element_type3A_30 {offsets = [0, 128], sizes = [8, 128], strides = [1, 1]} : vector<8x1024xf32> to vector<8x128xf32>
    %dot_general3A_46 = arith.constant dense<0.000000e+00> : vector<8x128xf32>
    %dot_general3A_47 = tpu.matmul %slice3A_45, %convert_element_type3A_34, %dot_general3A_46 {dimension_numbers = #tpu.dot_dimension_numbers<[1], [0], [0], [1], [0, 0, 1, 1], [], []>, transpose_lhs_hint = false} : vector<8x128xf32>, vector<128x128xf32>, vector<8x128xf32> -> vector<8x128xf32>
    %add3A_48 = vector.broadcast %add3A_44 : vector<8x1xf32> to vector<8x128xf32>
    %add3A_49 = arith.addf %dot_general3A_47, %add3A_48 : vector<8x128xf32>
    %reduce_sum3A_50 = arith.constant dense<0.000000e+00> : vector<8xf32>
    %reduce_sum3A_51 = vector.multi_reduction <add>, %slice3A_45, %reduce_sum3A_50 [1] : vector<8x128xf32> to vector<8xf32>
    %broadcast_in_dim3A_52 = vector.shape_cast %reduce_sum3A_51 : vector<8xf32> to vector<8x1xf32>
    %add3A_53 = arith.addf %add3A_44, %broadcast_in_dim3A_52 : vector<8x1xf32>
    %slice3A_54 = vector.extract_strided_slice %convert_element_type3A_30 {offsets = [0, 256], sizes = [8, 128], strides = [1, 1]} : vector<8x1024xf32> to vector<8x128xf32>
    %dot_general3A_55 = arith.constant dense<0.000000e+00> : vector<8x128xf32>
    %dot_general3A_56 = tpu.matmul %slice3A_54, %convert_element_type3A_34, %dot_general3A_55 {dimension_numbers = #tpu.dot_dimension_numbers<[1], [0], [0], [1], [0, 0, 1, 1], [], []>, transpose_lhs_hint = false} : vector<8x128xf32>, vector<128x128xf32>, vector<8x128xf32> -> vector<8x128xf32>
    %add3A_57 = vector.broadcast %add3A_53 : vector<8x1xf32> to vector<8x128xf32>
    %add3A_58 = arith.addf %dot_general3A_56, %add3A_57 : vector<8x128xf32>
    %reduce_sum3A_59 = arith.constant dense<0.000000e+00> : vector<8xf32>
    %reduce_sum3A_60 = vector.multi_reduction <add>, %slice3A_54, %reduce_sum3A_59 [1] : vector<8x128xf32> to vector<8xf32>
    %broadcast_in_dim3A_61 = vector.shape_cast %reduce_sum3A_60 : vector<8xf32> to vector<8x1xf32>
    %add3A_62 = arith.addf %add3A_53, %broadcast_in_dim3A_61 : vector<8x1xf32>
    %slice3A_63 = vector.extract_strided_slice %convert_element_type3A_30 {offsets = [0, 384], sizes = [8, 128], strides = [1, 1]} : vector<8x1024xf32> to vector<8x128xf32>
    %dot_general3A_64 = arith.constant dense<0.000000e+00> : vector<8x128xf32>
    %dot_general3A_65 = tpu.matmul %slice3A_63, %convert_element_type3A_34, %dot_general3A_64 {dimension_numbers = #tpu.dot_dimension_numbers<[1], [0], [0], [1], [0, 0, 1, 1], [], []>, transpose_lhs_hint = false} : vector<8x128xf32>, vector<128x128xf32>, vector<8x128xf32> -> vector<8x128xf32>
    %add3A_66 = vector.broadcast %add3A_62 : vector<8x1xf32> to vector<8x128xf32>
    %add3A_67 = arith.addf %dot_general3A_65, %add3A_66 : vector<8x128xf32>
    %reduce_sum3A_68 = arith.constant dense<0.000000e+00> : vector<8xf32>
    %reduce_sum3A_69 = vector.multi_reduction <add>, %slice3A_63, %reduce_sum3A_68 [1] : vector<8x128xf32> to vector<8xf32>
    %broadcast_in_dim3A_70 = vector.shape_cast %reduce_sum3A_69 : vector<8xf32> to vector<8x1xf32>
    %add3A_71 = arith.addf %add3A_62, %broadcast_in_dim3A_70 : vector<8x1xf32>
    %slice3A_72 = vector.extract_strided_slice %convert_element_type3A_30 {offsets = [0, 512], sizes = [8, 128], strides = [1, 1]} : vector<8x1024xf32> to vector<8x128xf32>
    %dot_general3A_73 = arith.constant dense<0.000000e+00> : vector<8x128xf32>
    %dot_general3A_74 = tpu.matmul %slice3A_72, %convert_element_type3A_34, %dot_general3A_73 {dimension_numbers = #tpu.dot_dimension_numbers<[1], [0], [0], [1], [0, 0, 1, 1], [], []>, transpose_lhs_hint = false} : vector<8x128xf32>, vector<128x128xf32>, vector<8x128xf32> -> vector<8x128xf32>
    %add3A_75 = vector.broadcast %add3A_71 : vector<8x1xf32> to vector<8x128xf32>
    %add3A_76 = arith.addf %dot_general3A_74, %add3A_75 : vector<8x128xf32>
    %reduce_sum3A_77 = arith.constant dense<0.000000e+00> : vector<8xf32>
    %reduce_sum3A_78 = vector.multi_reduction <add>, %slice3A_72, %reduce_sum3A_77 [1] : vector<8x128xf32> to vector<8xf32>
    %broadcast_in_dim3A_79 = vector.shape_cast %reduce_sum3A_78 : vector<8xf32> to vector<8x1xf32>
    %add3A_80 = arith.addf %add3A_71, %broadcast_in_dim3A_79 : vector<8x1xf32>
    %slice3A_81 = vector.extract_strided_slice %convert_element_type3A_30 {offsets = [0, 640], sizes = [8, 128], strides = [1, 1]} : vector<8x1024xf32> to vector<8x128xf32>
    %dot_general3A_82 = arith.constant dense<0.000000e+00> : vector<8x128xf32>
    %dot_general3A_83 = tpu.matmul %slice3A_81, %convert_element_type3A_34, %dot_general3A_82 {dimension_numbers = #tpu.dot_dimension_numbers<[1], [0], [0], [1], [0, 0, 1, 1], [], []>, transpose_lhs_hint = false} : vector<8x128xf32>, vector<128x128xf32>, vector<8x128xf32> -> vector<8x128xf32>
    %add3A_84 = vector.broadcast %add3A_80 : vector<8x1xf32> to vector<8x128xf32>
    %add3A_85 = arith.addf %dot_general3A_83, %add3A_84 : vector<8x128xf32>
    %reduce_sum3A_86 = arith.constant dense<0.000000e+00> : vector<8xf32>
    %reduce_sum3A_87 = vector.multi_reduction <add>, %slice3A_81, %reduce_sum3A_86 [1] : vector<8x128xf32> to vector<8xf32>
    %broadcast_in_dim3A_88 = vector.shape_cast %reduce_sum3A_87 : vector<8xf32> to vector<8x1xf32>
    %add3A_89 = arith.addf %add3A_80, %broadcast_in_dim3A_88 : vector<8x1xf32>
    %slice3A_90 = vector.extract_strided_slice %convert_element_type3A_30 {offsets = [0, 768], sizes = [8, 128], strides = [1, 1]} : vector<8x1024xf32> to vector<8x128xf32>
    %dot_general3A_91 = arith.constant dense<0.000000e+00> : vector<8x128xf32>
    %dot_general3A_92 = tpu.matmul %slice3A_90, %convert_element_type3A_34, %dot_general3A_91 {dimension_numbers = #tpu.dot_dimension_numbers<[1], [0], [0], [1], [0, 0, 1, 1], [], []>, transpose_lhs_hint = false} : vector<8x128xf32>, vector<128x128xf32>, vector<8x128xf32> -> vector<8x128xf32>
    %add3A_93 = vector.broadcast %add3A_89 : vector<8x1xf32> to vector<8x128xf32>
    %add3A_94 = arith.addf %dot_general3A_92, %add3A_93 : vector<8x128xf32>
    %reduce_sum3A_95 = arith.constant dense<0.000000e+00> : vector<8xf32>
    %reduce_sum3A_96 = vector.multi_reduction <add>, %slice3A_90, %reduce_sum3A_95 [1] : vector<8x128xf32> to vector<8xf32>
    %broadcast_in_dim3A_97 = vector.shape_cast %reduce_sum3A_96 : vector<8xf32> to vector<8x1xf32>
    %add3A_98 = arith.addf %add3A_89, %broadcast_in_dim3A_97 : vector<8x1xf32>
    %slice3A_99 = vector.extract_strided_slice %convert_element_type3A_30 {offsets = [0, 896], sizes = [8, 128], strides = [1, 1]} : vector<8x1024xf32> to vector<8x128xf32>
    %dot_general3A_100 = arith.constant dense<0.000000e+00> : vector<8x128xf32>
    %dot_general3A_101 = tpu.matmul %slice3A_99, %convert_element_type3A_34, %dot_general3A_100 {dimension_numbers = #tpu.dot_dimension_numbers<[1], [0], [0], [1], [0, 0, 1, 1], [], []>, transpose_lhs_hint = false} : vector<8x128xf32>, vector<128x128xf32>, vector<8x128xf32> -> vector<8x128xf32>
    %add3A_102 = vector.broadcast %add3A_98 : vector<8x1xf32> to vector<8x128xf32>
    %add3A_103 = arith.addf %dot_general3A_101, %add3A_102 : vector<8x128xf32>
    %reduce_sum3A_104 = arith.constant dense<0.000000e+00> : vector<8xf32>
    %reduce_sum3A_105 = vector.multi_reduction <add>, %slice3A_99, %reduce_sum3A_104 [1] : vector<8x128xf32> to vector<8xf32>
    %broadcast_in_dim3A_106 = vector.shape_cast %reduce_sum3A_105 : vector<8xf32> to vector<8x1xf32>
    %add3A_107 = arith.addf %add3A_98, %broadcast_in_dim3A_106 : vector<8x1xf32>
    %concatenate3A = tpu.concatenate %add3A_41, %add3A_49, %add3A_58, %add3A_67, %add3A_76, %add3A_85, %add3A_94, %add3A_103 in 1 : vector<8x128xf32>, vector<8x128xf32>, vector<8x128xf32>, vector<8x128xf32>, vector<8x128xf32>, vector<8x128xf32>, vector<8x128xf32>, vector<8x128xf32> -> vector<8x1024xf32>
    %jit3A_108 = arith.constant 0.000000e+00 : f32
    %broadcast_in_dim3A_109 = vector.broadcast %jit3A_108 : f32 to vector<8x1024xf32>
    %select_n3A_110 = arith.select %eq3A_28, %concatenate3A, %broadcast_in_dim3A_109 : vector<8x1024xi1>, vector<8x1024xf32>
    %reduce_sum3A_111 = arith.constant dense<0.000000e+00> : vector<1024xf32>
    %reduce_sum3A_112 = vector.multi_reduction <add>, %select_n3A_110, %reduce_sum3A_111 [0] : vector<8x1024xf32> to vector<1024xf32>
    %broadcast_in_dim3A_113 = vector.shape_cast %reduce_sum3A_112 : vector<1024xf32> to vector<1x1024xf32>
    %swap3A = arith.constant 0 : index
    %swap3A_114 = arith.constant 0 : index
    %swap3A_115 = arith.constant 0 : index
    %swap3A_116 = vector.load %arg6[%swap3A, %swap3A_114, %swap3A_115] : memref<1x1x1024xi32, #tpu.memory_space<vmem>>, vector<1x1x1024xi32>
    %swap3A_117 = vector.shape_cast %swap3A_116 : vector<1x1x1024xi32> to vector<1x1024xi32>
    %swap3A_118 = vector.shape_cast %broadcast_in_dim3A_26 : vector<1x1024xi32> to vector<1x1x1024xi32>
    tpu.vector_store %arg6[%swap3A, %swap3A_114, %swap3A_115], %swap3A_118 {strides = array<i32>} : memref<1x1x1024xi32, #tpu.memory_space<vmem>>, vector<1x1x1024xi32>,
    %convert_element_type3A_119 = arith.fptosi %broadcast_in_dim3A_113 : vector<1x1024xf32> to vector<1x1024xi32>
    %swap3A_120 = arith.constant 0 : index
    %swap3A_121 = arith.constant 0 : index
    %swap3A_122 = arith.constant 0 : index
    %swap3A_123 = vector.load %arg7[%swap3A_120, %swap3A_121, %swap3A_122] : memref<1x1x1024xi32, #tpu.memory_space<vmem>>, vector<1x1x1024xi32>
    %swap3A_124 = vector.shape_cast %swap3A_123 : vector<1x1x1024xi32> to vector<1x1024xi32>
    %swap3A_125 = vector.shape_cast %convert_element_type3A_119 : vector<1x1024xi32> to vector<1x1x1024xi32>
    tpu.vector_store %arg7[%swap3A_120, %swap3A_121, %swap3A_122], %swap3A_125 {strides = array<i32>} : memref<1x1x1024xi32, #tpu.memory_space<vmem>>, vector<1x1x1024xi32>,
    %convert_element_type3A_126 = arith.fptosi %add3A_107 : vector<8x1xf32> to vector<8x1xi32>
    %swap3A_127 = arith.constant 0 : index
    %swap3A_128 = arith.constant 0 : index
    %swap3A_129 = vector.load %arg8[%swap3A_127, %swap3A_128] : memref<8x1xi32, #tpu.memory_space<vmem>>, vector<8x1xi32>
    tpu.vector_store %arg8[%swap3A_127, %swap3A_128], %convert_element_type3A_126 {strides = array<i32>} : memref<8x1xi32, #tpu.memory_space<vmem>>, vector<8x1xi32>,
    %swap3A_130 = arith.constant 0 : index
    %swap3A_131 = arith.constant 0 : index
    %swap3A_132 = vector.load %arg10[%swap3A_130, %swap3A_131] : memref<8x1xf32, #tpu.memory_space<vmem>>, vector<8x1xf32>
    tpu.vector_store %arg10[%swap3A_130, %swap3A_131], %add3A_107 {strides = array<i32>} : memref<8x1xf32, #tpu.memory_space<vmem>>, vector<8x1xf32>,
    %get3A_133 = arith.constant 0 : index
    %get3A_134 = arith.constant 0 : index
    %get3A_135 = vector.load %arg1[%get3A_133, %get3A_134] : memref<1024x768xf32, #tpu.memory_space<vmem>>, vector<1024x768xf32>
    %convert_element_type3A_136 = arith.truncf %get3A_135 : vector<1024x768xf32> to vector<1024x768xbf16>
    %slice3A_137 = vector.extract_strided_slice %convert_element_type3A_136 {offsets = [0, 0], sizes = [1024, 384], strides = [1, 1]} : vector<1024x768xbf16> to vector<1024x384xbf16>
    %bitcast_convert_type3A = tpu.bitcast %slice3A_137 : vector<1024x384xbf16> -> vector<1024x384xi16>
    %convert_element_type3A_138 = arith.extui %bitcast_convert_type3A : vector<1024x384xi16> to vector<1024x384xi32>
    %slice3A_139 = vector.extract_strided_slice %convert_element_type3A_136 {offsets = [0, 384], sizes = [1024, 384], strides = [1, 1]} : vector<1024x768xbf16> to vector<1024x384xbf16>
    %bitcast_convert_type3A_140 = tpu.bitcast %slice3A_139 : vector<1024x384xbf16> -> vector<1024x384xi16>
    %convert_element_type3A_141 = arith.extui %bitcast_convert_type3A_140 : vector<1024x384xi16> to vector<1024x384xi32>
    %shift_left3A = arith.constant 16 : i32
    %shift_left3A_142 = vector.broadcast %shift_left3A : i32 to vector<1024x384xi32>
    %shift_left3A_143 = arith.shli %convert_element_type3A_141, %shift_left3A_142 : vector<1024x384xi32>
    %or3A = arith.ori %convert_element_type3A_138, %shift_left3A_143 : vector<1024x384xi32>
    %bitcast_convert_type3A_144 = tpu.bitcast %or3A : vector<1024x384xi32> -> vector<1024x384xi32>
    %swap3A_145 = arith.constant 0 : index
    %swap3A_146 = arith.constant 0 : index
    %swap3A_147 = vector.load %arg9[%swap3A_145, %swap3A_146] : memref<1024x384xi32, #tpu.memory_space<vmem>>, vector<1024x384xi32>
    tpu.vector_store %arg9[%swap3A_145, %swap3A_146], %bitcast_convert_type3A_144 {strides = array<i32>} : memref<1024x384xi32, #tpu.memory_space<vmem>>, vector<1024x384xi32>,
    return
  }
  func.func @transform_0(%arg0: i32) -> (i32, i32) {
    %c0_i32 = arith.constant 0 : i32
    %c0_i32_0 = arith.constant 0 : i32
    return %arg0, %c0_i32 : i32, i32
  }
  func.func @transform_1(%arg0: i32) -> (i32, i32) {
    %c0_i32 = arith.constant 0 : i32
    %c0_i32_0 = arith.constant 0 : i32
    %c0_i32_1 = arith.constant 0 : i32
    return %c0_i32, %c0_i32_0 : i32, i32
  }
  func.func @transform_2(%arg0: i32) -> (i32, i32) {
    %c0_i32 = arith.constant 0 : i32
    %c0_i32_0 = arith.constant 0 : i32
    %c0_i32_1 = arith.constant 0 : i32
    return %c0_i32, %c0_i32_0 : i32, i32
  }
  func.func @transform_3(%arg0: i32) -> (i32, i32) {
    %c0_i32 = arith.constant 0 : i32
    %c0_i32_0 = arith.constant 0 : i32
    %c0_i32_1 = arith.constant 0 : i32
    return %c0_i32, %c0_i32_0 : i32, i32
  }
  func.func @transform_4(%arg0: i32) -> (i32, i32) {
    %c0_i32 = arith.constant 0 : i32
    %c0_i32_0 = arith.constant 0 : i32
    %c0_i32_1 = arith.constant 0 : i32
    return %c0_i32, %c0_i32_0 : i32, i32
  }
  func.func @transform_5(%arg0: i32) -> (i32, i32, i32) {
    %c0_i32 = arith.constant 0 : i32
    %c0_i32_0 = arith.constant 0 : i32
    %c0_i32_1 = arith.constant 0 : i32
    return %arg0, %c0_i32, %c0_i32_0 : i32, i32, i32
  }
  func.func @transform_6(%arg0: i32) -> (i32, i32, i32) {
    %c0_i32 = arith.constant 0 : i32
    %c0_i32_0 = arith.constant 0 : i32
    %c0_i32_1 = arith.constant 0 : i32
    return %arg0, %c0_i32, %c0_i32_0 : i32, i32, i32
  }
  func.func @transform_7(%arg0: i32) -> (i32, i32) {
    %c0_i32 = arith.constant 0 : i32
    %c0_i32_0 = arith.constant 0 : i32
    %c0_i32_1 = arith.constant 0 : i32
    return %c0_i32, %c0_i32_0 : i32, i32
  }
  func.func @transform_8(%arg0: i32) -> (i32, i32) {
    %c0_i32 = arith.constant 0 : i32
    %c0_i32_0 = arith.constant 0 : i32
    return %arg0, %c0_i32 : i32, i32
  }
}

module attributes {stable_mosaic.version = 14 : i64} {
  func.func @_grouped_body(%arg0: i32, %arg1: memref<24xi32, #tpu.memory_space<smem>>, %arg2: memref<24xi32, #tpu.memory_space<smem>>, %arg3: memref<24xi32, #tpu.memory_space<smem>>, %arg4: memref<512x384xi32, #tpu.memory_space<vmem>>, %arg5: memref<1x768x768xf32, #tpu.memory_space<vmem>>, %arg6: memref<1x1x768xf32, #tpu.memory_space<vmem>>, %arg7: memref<1x768x768xf32, #tpu.memory_space<vmem>>, %arg8: memref<1x1x768xf32, #tpu.memory_space<vmem>>, %arg9: memref<512x768xf32, #tpu.memory_space<vmem>>, %arg10: memref<768x768xbf16, #tpu.memory_space<vmem>>, %arg11: memref<1x768xf32, #tpu.memory_space<vmem>>) attributes {dimension_semantics = [#tpu.dimension_semantics<arbitrary>], iteration_bounds = array<i64: 24>, scalar_prefetch = 3 : i64, scratch_operands = 2 : i64, tpu.core_type = #tpu.core_type<tc>, window_params = [{transform_indices = @transform_0, window_bounds = array<i64: 512, 384>}, {transform_indices = @transform_1, window_bounds = array<i64: 1, 768, 768>}, {transform_indices = @transform_2, window_bounds = array<i64: 1, 1, 768>}, {transform_indices = @transform_3, window_bounds = array<i64: 1, 768, 768>}, {transform_indices = @transform_4, window_bounds = array<i64: 1, 1, 768>}, {transform_indices = @transform_5, window_bounds = array<i64: 512, 768>}]} {
    %get3A = arith.index_cast %arg0 : i32 to index
    %get3A_0 = memref.load %arg3[%get3A] : memref<24xi32, #tpu.memory_space<smem>>
    %ne3A = arith.constant 0 : i32
    %ne3A_1 = arith.cmpi ne, %get3A_0, %ne3A : i32
    %get3A_2 = arith.index_cast %arg0 : i32 to index
    %get3A_3 = memref.load %arg2[%get3A_2] : memref<24xi32, #tpu.memory_space<smem>>
    %ne3A_4 = arith.constant 0 : i32
    %ne3A_5 = arith.cmpi ne, %get3A_3, %ne3A_4 : i32
    %and3A = arith.andi %ne3A_1, %ne3A_5 : i1
    %convert_element_type3A = arith.extui %and3A : i1 to i32
    %cond3A = arith.constant 0 : i32
    %cond3A_6 = arith.cmpi ne, %convert_element_type3A, %cond3A : i32
    scf.if %cond3A_6 {
      %get3A_14 = arith.constant 0 : index
      %get3A_15 = arith.constant 0 : index
      %get3A_16 = arith.constant 0 : index
      %get3A_17 = vector.load %arg7[%get3A_14, %get3A_15, %get3A_16] : memref<1x768x768xf32, #tpu.memory_space<vmem>>, vector<1x768x768xf32>
      %get3A_18 = vector.shape_cast %get3A_17 : vector<1x768x768xf32> to vector<768x768xf32>
      %get3A_19 = arith.constant 0 : index
      %get3A_20 = arith.constant 0 : index
      %get3A_21 = arith.constant 0 : index
      %get3A_22 = vector.load %arg5[%get3A_19, %get3A_20, %get3A_21] : memref<1x768x768xf32, #tpu.memory_space<vmem>>, vector<1x768x768xf32>
      %get3A_23 = vector.shape_cast %get3A_22 : vector<1x768x768xf32> to vector<768x768xf32>
      %convert_element_type3A_24 = arith.truncf %get3A_23 : vector<768x768xf32> to vector<768x768xbf16>
      %convert_element_type3A_25 = arith.truncf %get3A_18 : vector<768x768xf32> to vector<768x768xbf16>
      %dot_general3A = arith.constant dense<0.000000e+00> : vector<768x768xf32>
      %dot_general3A_26 = tpu.matmul %convert_element_type3A_24, %convert_element_type3A_25, %dot_general3A {dimension_numbers = #tpu.dot_dimension_numbers<[1], [0], [0], [1], [0, 0, 1, 1], [], []>, transpose_lhs_hint = false} : vector<768x768xbf16>, vector<768x768xbf16>, vector<768x768xf32> -> vector<768x768xf32>
      %convert_element_type3A_27 = arith.truncf %dot_general3A_26 : vector<768x768xf32> to vector<768x768xbf16>
      %swap3A = arith.constant 0 : index
      %swap3A_28 = arith.constant 0 : index
      %swap3A_29 = vector.load %arg10[%swap3A, %swap3A_28] : memref<768x768xbf16, #tpu.memory_space<vmem>>, vector<768x768xbf16>
      tpu.vector_store %arg10[%swap3A, %swap3A_28], %convert_element_type3A_27 {strides = array<i32>} : memref<768x768xbf16, #tpu.memory_space<vmem>>, vector<768x768xbf16>,
      %get3A_30 = arith.constant 0 : index
      %get3A_31 = arith.constant 0 : index
      %get3A_32 = arith.constant 0 : index
      %get3A_33 = vector.load %arg6[%get3A_30, %get3A_31, %get3A_32] : memref<1x1x768xf32, #tpu.memory_space<vmem>>, vector<1x1x768xf32>
      %get3A_34 = vector.shape_cast %get3A_33 : vector<1x1x768xf32> to vector<1x768xf32>
      %dot_general3A_35 = arith.constant dense<0.000000e+00> : vector<1x768xf32>
      %dot_general3A_36 = tpu.matmul %get3A_34, %get3A_18, %dot_general3A_35 {dimension_numbers = #tpu.dot_dimension_numbers<[1], [0], [0], [1], [0, 0, 1, 1], [], []>, transpose_lhs_hint = false} : vector<1x768xf32>, vector<768x768xf32>, vector<1x768xf32> -> vector<1x768xf32>
      %get3A_37 = arith.constant 0 : index
      %get3A_38 = arith.constant 0 : index
      %get3A_39 = arith.constant 0 : index
      %get3A_40 = vector.load %arg8[%get3A_37, %get3A_38, %get3A_39] : memref<1x1x768xf32, #tpu.memory_space<vmem>>, vector<1x1x768xf32>
      %get3A_41 = vector.shape_cast %get3A_40 : vector<1x1x768xf32> to vector<1x768xf32>
      %add3A = arith.addf %dot_general3A_36, %get3A_41 : vector<1x768xf32>
      %swap3A_42 = arith.constant 0 : index
      %swap3A_43 = arith.constant 0 : index
      %swap3A_44 = vector.load %arg11[%swap3A_42, %swap3A_43] : memref<1x768xf32, #tpu.memory_space<vmem>>, vector<1x768xf32>
      tpu.vector_store %arg11[%swap3A_42, %swap3A_43], %add3A {strides = array<i32>} : memref<1x768xf32, #tpu.memory_space<vmem>>, vector<1x768xf32>,
    } else {
    }
    %get3A_7 = arith.index_cast %arg0 : i32 to index
    %get3A_8 = memref.load %arg2[%get3A_7] : memref<24xi32, #tpu.memory_space<smem>>
    %ne3A_9 = arith.constant 0 : i32
    %ne3A_10 = arith.cmpi ne, %get3A_8, %ne3A_9 : i32
    %convert_element_type3A_11 = arith.extui %ne3A_10 : i1 to i32
    %cond3A_12 = arith.constant 0 : i32
    %cond3A_13 = arith.cmpi ne, %convert_element_type3A_11, %cond3A_12 : i32
    scf.if %cond3A_13 {
      %get3A_14 = arith.constant 0 : index
      %get3A_15 = arith.constant 0 : index
      %get3A_16 = vector.load %arg4[%get3A_14, %get3A_15] : memref<512x384xi32, #tpu.memory_space<vmem>>, vector<512x384xi32>
      %bitcast_convert_type3A = tpu.bitcast %get3A_16 : vector<512x384xi32> -> vector<512x384xi32>
      %and3A_17 = arith.constant 65535 : i32
      %and3A_18 = vector.broadcast %and3A_17 : i32 to vector<512x384xi32>
      %and3A_19 = arith.andi %bitcast_convert_type3A, %and3A_18 : vector<512x384xi32>
      %convert_element_type3A_20 = arith.trunci %and3A_19 : vector<512x384xi32> to vector<512x384xi16>
      %bitcast_convert_type3A_21 = tpu.bitcast %convert_element_type3A_20 : vector<512x384xi16> -> vector<512x384xbf16>
      %shift_right_logical3A = arith.constant 16 : i32
      %shift_right_logical3A_22 = vector.broadcast %shift_right_logical3A : i32 to vector<512x384xi32>
      %shift_right_logical3A_23 = arith.shrui %bitcast_convert_type3A, %shift_right_logical3A_22 : vector<512x384xi32>
      %convert_element_type3A_24 = arith.trunci %shift_right_logical3A_23 : vector<512x384xi32> to vector<512x384xi16>
      %bitcast_convert_type3A_25 = tpu.bitcast %convert_element_type3A_24 : vector<512x384xi16> -> vector<512x384xbf16>
      %concatenate3A = tpu.concatenate %bitcast_convert_type3A_21, %bitcast_convert_type3A_25 in 1 : vector<512x384xbf16>, vector<512x384xbf16> -> vector<512x768xbf16>
      %get3A_26 = arith.constant 0 : index
      %get3A_27 = arith.constant 0 : index
      %get3A_28 = vector.load %arg10[%get3A_26, %get3A_27] : memref<768x768xbf16, #tpu.memory_space<vmem>>, vector<768x768xbf16>
      %dot_general3A = arith.constant dense<0.000000e+00> : vector<512x768xf32>
      %dot_general3A_29 = tpu.matmul %concatenate3A, %get3A_28, %dot_general3A {dimension_numbers = #tpu.dot_dimension_numbers<[1], [0], [0], [1], [0, 0, 1, 1], [], []>, transpose_lhs_hint = false} : vector<512x768xbf16>, vector<768x768xbf16>, vector<512x768xf32> -> vector<512x768xf32>
      %get3A_30 = arith.constant 0 : index
      %get3A_31 = arith.constant 0 : index
      %get3A_32 = vector.load %arg11[%get3A_30, %get3A_31] : memref<1x768xf32, #tpu.memory_space<vmem>>, vector<1x768xf32>
      %add3A = vector.broadcast %get3A_32 : vector<1x768xf32> to vector<512x768xf32>
      %add3A_33 = arith.addf %dot_general3A_29, %add3A : vector<512x768xf32>
      %swap3A = arith.constant 0 : index
      %swap3A_34 = arith.constant 0 : index
      %swap3A_35 = vector.load %arg9[%swap3A, %swap3A_34] : memref<512x768xf32, #tpu.memory_space<vmem>>, vector<512x768xf32>
      tpu.vector_store %arg9[%swap3A, %swap3A_34], %add3A_33 {strides = array<i32>} : memref<512x768xf32, #tpu.memory_space<vmem>>, vector<512x768xf32>,
    } else {
    }
    return
  }
  func.func @transform_0(%arg0: i32, %arg1: memref<24xi32, #tpu.memory_space<smem>>, %arg2: memref<24xi32, #tpu.memory_space<smem>>, %arg3: memref<24xi32, #tpu.memory_space<smem>>) -> (i32, i32) {
    %c0_i32 = arith.constant 0 : i32
    %c0_i32_0 = arith.constant 0 : i32
    return %arg0, %c0_i32 : i32, i32
  }
  func.func @transform_1(%arg0: i32, %arg1: memref<24xi32, #tpu.memory_space<smem>>, %arg2: memref<24xi32, #tpu.memory_space<smem>>, %arg3: memref<24xi32, #tpu.memory_space<smem>>) -> (i32, i32, i32) {
    %get3A = arith.index_cast %arg0 : i32 to index
    %get3A_0 = memref.load %arg1[%get3A] : memref<24xi32, #tpu.memory_space<smem>>
    %c0_i32 = arith.constant 0 : i32
    %c0_i32_1 = arith.constant 0 : i32
    %c0_i32_2 = arith.constant 0 : i32
    return %get3A_0, %c0_i32, %c0_i32_1 : i32, i32, i32
  }
  func.func @transform_2(%arg0: i32, %arg1: memref<24xi32, #tpu.memory_space<smem>>, %arg2: memref<24xi32, #tpu.memory_space<smem>>, %arg3: memref<24xi32, #tpu.memory_space<smem>>) -> (i32, i32, i32) {
    %get3A = arith.index_cast %arg0 : i32 to index
    %get3A_0 = memref.load %arg1[%get3A] : memref<24xi32, #tpu.memory_space<smem>>
    %c0_i32 = arith.constant 0 : i32
    %c0_i32_1 = arith.constant 0 : i32
    %c0_i32_2 = arith.constant 0 : i32
    return %get3A_0, %c0_i32, %c0_i32_1 : i32, i32, i32
  }
  func.func @transform_3(%arg0: i32, %arg1: memref<24xi32, #tpu.memory_space<smem>>, %arg2: memref<24xi32, #tpu.memory_space<smem>>, %arg3: memref<24xi32, #tpu.memory_space<smem>>) -> (i32, i32, i32) {
    %get3A = arith.index_cast %arg0 : i32 to index
    %get3A_0 = memref.load %arg1[%get3A] : memref<24xi32, #tpu.memory_space<smem>>
    %c0_i32 = arith.constant 0 : i32
    %c0_i32_1 = arith.constant 0 : i32
    %c0_i32_2 = arith.constant 0 : i32
    return %get3A_0, %c0_i32, %c0_i32_1 : i32, i32, i32
  }
  func.func @transform_4(%arg0: i32, %arg1: memref<24xi32, #tpu.memory_space<smem>>, %arg2: memref<24xi32, #tpu.memory_space<smem>>, %arg3: memref<24xi32, #tpu.memory_space<smem>>) -> (i32, i32, i32) {
    %get3A = arith.index_cast %arg0 : i32 to index
    %get3A_0 = memref.load %arg1[%get3A] : memref<24xi32, #tpu.memory_space<smem>>
    %c0_i32 = arith.constant 0 : i32
    %c0_i32_1 = arith.constant 0 : i32
    %c0_i32_2 = arith.constant 0 : i32
    return %get3A_0, %c0_i32, %c0_i32_1 : i32, i32, i32
  }
  func.func @transform_5(%arg0: i32, %arg1: memref<24xi32, #tpu.memory_space<smem>>, %arg2: memref<24xi32, #tpu.memory_space<smem>>, %arg3: memref<24xi32, #tpu.memory_space<smem>>) -> (i32, i32) {
    %c0_i32 = arith.constant 0 : i32
    %c0_i32_0 = arith.constant 0 : i32
    return %arg0, %c0_i32 : i32, i32
  }
}

</mosaic_0001>

<sc_bundles>
// kernel: kernel.10.cloned.1.call-start
scs
__scs_entry_jumppad:
0x0: {  	(pc) =	sbr.rel $0x88, $3  }
0x1: {  	(tag) =	ssettag $0x0;
	lr =	simm.s32 $0x1  }
0x2: {  	[smem:$0x3F98] =	sst lr;
	_ =	strace $0xD0000000  }
0x3: {  	_ = 	snop  }
0x4: {  	_ = 	snop  }
0x5: {  	_ = 	snop  }
0x6: {  	_ = 	snop  }
0x7: {  	_ = 	snop  }
__scs_overlays_trampoline_lowered:
0x8: {  	[smem:$0x3FA7] =	sst s0  }
0x9: {  	[smem:$0x3FA8] =	sst s1  }
0xa: {  	[smem:$0x3FA9] =	sst s2  }
0xb: {  	[smem:$0x3FAA] =	sst s3  }
0xc: {  	[smem:$0x3FAB] =	sst s4  }
0xd: {  	[smem:$0x3FAC] =	sst s5  }
0xe: {  	[smem:$0x3FAD] =	sst s6  }
0xf: {  	[smem:$0x3FAE] =	sst s7  }
0x10: {  	[smem:$0x3FAF] =	sst s8  }
0x11: {  	[smem:$0x3FB0] =	sst s9;
	s0 =	simm.s32 @!p0 $0x0  }
0x12: {  	s1 =	sld [smem:$0x3F96];
	s0 =	simm.s32 @p0 $0x1  }
0x13: {  	[smem:$0x3FB1] =	sst s0;
	s0 =	simm.s32 @!p1 $0x0  }
0x14: {  	s2 =	sld [smem:$0x3F95];
	s0 =	simm.s32 @p1 $0x1  }
0x15: {  	[smem:$0x3FB2] =	sst s0;
	s0 =	simm.s32 @!p2 $0x0  }
0x16: {  	s3 =	sld [smem:$0x3FDB];
	s0 =	simm.s32 @p2 $0x1  }
0x17: {  	s4 =	simm.s32 $0x1BF5;
	[smem:$0x3FB4] =	sst s0  }
0x18: {  	s0 =	sld [smem:$0x3F97];
	_ =	swait.ge [sflag:s4], $0x0  }
0x19: {  	s7 =	sld [smem:$0x3F98]  }
0x1a: {  	s8 =	sadd.s32 $0xFFFFE003, lr  }
0x1b: {  	s9 =	sadd.s32 $0xFFFFFEF7, lr;
	s5 =	simm.s32 $0xFFFFFFFF;
	p2 =	slt.u32 s8, $0xFFFFF086  }
0x1c: {  	p1 =	slt.u32 s9, $0xF7A;
	s5 =	simm.s32 @!p2 $0x0  }
0x1d: {  	s5 =	simm.s32 @p1 $0x1;
	p0 =	seq.s32 s7, s2  }
0x1e: {  	s7 =	smul.u32 @!p0 $0xF7A, s2;
	p2 =	seq.s32 @!p0 s5, $0x0  }
0x1f: {  	s9 =	smul.u32 $0xF7A, s1;
	s8 =	simm.s32 @!p0 $0x1BF5;
	p2 =	por !p2, p0  }
0x20: {  	[sflag:s8] =	ssyncset.s32 @!p0 $0xFFFFF086;
	s6 =	sadd.s32 @!p0 s3, s7;
	s7 =	simm.s32 @!p0 $0x108  }
0x21: {  	s3 =	sadd.s32 s3, s9;
	s6 =	sadd.s32 @!p0 $0x88, s6;
	s7 =	simm.s32 @p2 $0x1082  }
0x22: {  	[simem:s7], [sflag:s8] =	dma.local @!p0 [hbm:s6], $0xF7A  }
0x23: {  	s9 =	sor.u32 $0xD0000000, s2;
	s6 =	simm.s32 $0x108;
	_ =	swait.ge @!p0 [sflag:s8], $0x0  }
0x24: {  	s3 =	sadd.s32 $0x88, s3;
	s6 =	simm.s32 @!p1 $0x1082;
	[sflag:s4] =	ssyncset.s32 $0xFFFFF086  }
0x25: {  	[simem:s6], [sflag:s4] =	dma.local [hbm:s3], $0xF7A  }
0x26: {  	[smem:$0x3F98] =	sst s1;
	(tag) =	ssettag s2;
	_ =	strace s9  }
0x27: {  	s1 =	sld [smem:$0x3FA8]  }
0x28: {  	s2 =	sld [smem:$0x3FA9]  }
0x29: {  	s4 =	sld [smem:$0x3FAB]  }
0x2a: {  	p0 =	seq.s32 s5, $0x0;
	s5 =	sld [smem:$0x3FAC]  }
0x2b: {  	s6 =	sld [smem:$0x3FAD]  }
0x2c: {  	s7 =	sld [smem:$0x3FAE]  }
0x2d: {  	s3 =	simm.s32 $0x108;
	s8 =	sld [smem:$0x3FAF]  }
0x2e: {  	s3 =	simm.s32 @!p0 $0x1082;
	s9 =	sld [smem:$0x3FB0]  }
0x2f: {  	lr =	sadd.s32 s0, s3;
	s0 =	sld [smem:$0x3FA7]  }
0x30: {  	s3 =	sld [smem:$0x3FAA]  }
0x31: {  	[smem:$0x3FB3] =	sst s10  }
0x32: {  	s10 =	sld [smem:$0x3FB1];
	_ =	sdelay $0x3  }
0x33: {  	p0 =	seq.s32 s10, $0x1;
	s10 =	sld [smem:$0x3FB3];
	_ =	sdelay $0x3  }
0x34: {  	[smem:$0x3FB3] =	sst s10  }
0x35: {  	s10 =	sld [smem:$0x3FB2];
	_ =	sdelay $0x3  }
0x36: {  	p1 =	seq.s32 s10, $0x1;
	s10 =	sld [smem:$0x3FB3];
	_ =	sdelay $0x3  }
0x37: {  	[smem:$0x3FB3] =	sst s10  }
0x38: {  	s10 =	sld [smem:$0x3FB4]  }
0x39: {  	_ = 	snop;
	(pc) =	sbr.ind lr, $3  }
0x3a: {  	_ = 	snop  }
0x3b: {  	_ = 	snop  }
0x3c: {  	p2 =	seq.s32 s10, $0x1;
	s10 =	sld [smem:$0x3FB3]  }
0x3d: {  	_ =	shalt  }
0x3e: {  	_ =	shalt  }
0x3f: {  	_ =	shalt  }
0x40: {  	_ =	shalt  }
0x41: {  	_ =	shalt  }
0x42: {  	_ =	shalt  }
0x43: {  	_ =	shalt  }
0x44: {  	_ =	shalt  }
0x45: {  	_ =	shalt  }
0x46: {  	_ =	shalt  }
0x47: {  	_ =	shalt  }
0x48: {  	_ =	shalt  }
0x49: {  	_ =	shalt  }
0x4a: {  	_ =	shalt  }
0x4b: {  	_ =	shalt  }
0x4c: {  	_ =	shalt  }
0x4d: {  	_ =	shalt  }
0x4e: {  	_ =	shalt  }
0x4f: {  	_ =	shalt  }
0x50: {  	_ =	shalt  }
0x51: {  	_ =	shalt  }
0x52: {  	_ =	shalt  }
0x53: {  	_ =	shalt  }
0x54: {  	_ =	shalt  }
0x55: {  	_ =	shalt  }
0x56: {  	_ =	shalt  }
0x57: {  	_ =	shalt  }
0x58: {  	_ =	shalt  }
0x59: {  	_ =	shalt  }
0x5a: {  	_ =	shalt  }
0x5b: {  	_ =	shalt  }
0x5c: {  	_ =	shalt  }
0x5d: {  	_ =	shalt  }
0x5e: {  	_ =	shalt  }
0x5f: {  	_ =	shalt  }
0x60: {  	_ =	shalt  }
0x61: {  	_ =	shalt  }
0x62: {  	_ =	shalt  }
0x63: {  	_ =	shalt  }
0x64: {  	_ =	shalt  }
0x65: {  	_ =	shalt  }
0x66: {  	_ =	shalt  }
0x67: {  	_ =	shalt  }
0x68: {  	_ =	shalt  }
0x69: {  	_ =	shalt  }
0x6a: {  	_ =	shalt  }
0x6b: {  	_ =	shalt  }
0x6c: {  	_ =	shalt  }
0x6d: {  	_ =	shalt  }
0x6e: {  	_ =	shalt  }
0x6f: {  	_ =	shalt  }
0x70: {  	_ =	shalt  }
0x71: {  	_ =	shalt  }
0x72: {  	_ =	shalt  }
0x73: {  	_ =	shalt  }
0x74: {  	_ =	shalt  }
0x75: {  	_ =	shalt  }
0x76: {  	_ =	shalt  }
0x77: {  	_ =	shalt  }
0x78: {  	_ =	shalt  }
0x79: {  	_ =	shalt  }
0x7a: {  	_ =	shalt  }
0x7b: {  	_ =	shalt  }
0x7c: {  	_ =	shalt  }
0x7d: {  	_ =	shalt  }
0x7e: {  	_ =	shalt  }
0x7f: {  	_ =	shalt  }
0x80: {  	_ =	shalt  }
0x81: {  	_ =	shalt  }
0x82: {  	_ =	shalt  }
0x83: {  	_ =	shalt  }
0x84: {  	_ =	shalt  }
0x85: {  	_ =	shalt  }
0x86: {  	_ =	shalt  }
0x87: {  	_ =	shalt  }
.Lfunc_end0:
.L_simem_size_0:
called_computation.1_lowered:
.L_overlay_start_0:
0x88: {  	s2 =	sld [smem:$0x3FD9]  }
0x89: {  	s3 =	sld [smem:$0x3FFE];
	_ =	sdelay $0x1  }
0x8a: {  	s1 =	srdreg.scid  }
0x8b: {  	s0 =	sand.u32 $0x1, s1  }
0x8c: {  	s17 =	sshll.u32 s0, $0xA;
	s2 =	sadd.s32 s3, s2  }
0x8d: {  	s2 =	sadd.s32 s2, s17  }
0x8e: {  	[smem:$0x3FBF] =	sst s2  }
0x8f: {  	_ = 	snop  }
0x90: {  	s2 =	sld [smem:$0x3FD0];
	(tm) =	ssettm $0x1  }
0x91: {  	s18 =	sld [smem:$0x3FFB];
	_ =	sdelay $0x3  }
0x92: {  	_ =	strace s18  }
0x93: {  	s3 =	sld [smem:$0x3FFC];
	_ =	sdelay $0x3  }
0x94: {  	_ =	strace s3  }
0x95: {  	s3 =	sld [smem:$0x3FFD];
	_ =	sdelay $0x3  }
0x96: {  	_ =	strace s3  }
0x97: {  	_ =	strace $0x8FFFFFFF  }
0x98: {  	s19 =	sld [smem:$0x3FDB];
	_ =	sdelay $0x1  }
0x99: {  	s4 =	simm.s32 $_scs_section_size  }
0x9a: {  	s5 =	simm.s32 $_size__tile_overlayer_lowered;
	s6 =	simm.s32 $_tile_overlayer_lowered  }
0x9b: {  	s22 =	simm.s32 $0x1BFF;
	s21 =	sshll.u32 s6, $0x1;
	s3 =	sadd.s32 s4, s19  }
0x9c: {  	s7 =	simm.s32 $0x0;
	s20 =	sshll.u32 s5, $0x1;
	s5 =	sadd.s32 s21, s3  }
0x9d: {  	[timem:s7], [sflag:s22] =	dma.local [hbm:s5], s20  }
0x9e: {  	_ =	swait.ge [sflag:s22], s20  }
0x9f: {  	s4 =	ssub.s32 $0x0, s20;
	[sflag:s22] =	ssyncset.done $0x0  }
0xa0: {  	[sflag:s22] =	ssyncadd.s32 s4;
	_ =	sdelay $0x1  }
0xa1: {  	s23 =	simm.s32 $0x1B8B  }
0xa2: {  	_ =	swait.ge [sflag:s23], $0x1  }
0xa3: {  	[sflag:s23] =	ssyncset.done $0x0  }
0xa4: {  	s25 =	simm.s32 $0x1B8E;
	s24 =	sld [smem:$0x3FFE];
	[sflag:s23] =	ssyncadd.s32 $0xFFFFFFFF  }
0xa5: {  	s26 =	simm.s32 $execute0_lowered;
	[smem:$0x3FD2] =	sst s25  }
0xa6: {  	s5 =	sshll.u32 s26, $0x1;
	_ =	strace $0x80000049;
	[dreg:$0x1] =	wrdreg $0xFFFFFFFF  }
0xa7: {  	s28 =	simm.s32 $_size_execute0_lowered;
	s3 =	sadd.s32 s3, s5;
	[dreg:$0x0] =	wrdreg $0x0  }
0xa8: {  	s5 =	sshll.u32 s28, $0x1;
	[dreg:$0x2] =	wrdreg s3  }
0xa9: {  	[dreg:$0x3] =	wrdreg s5  }
0xaa: {  	[dreg:$0x4] =	wrdreg $0xC0  }
0xab: {  	_ =	task [dreg:s7], $0x5FFFF  }
0xac: {  	[dreg:$0x1] =	wrdreg $0xFFFFFFFF  }
0xad: {  	[dreg:$0x0] =	wrdreg $0x60  }
0xae: {  	[dreg:$0x2] =	wrdreg s24  }
0xaf: {  	[dreg:$0x3] =	wrdreg s2  }
0xb0: {  	[dreg:$0x4] =	wrdreg $0x9  }
0xb1: {  	_ =	task.clear_ibuf [dreg:s7], $0x5FFFF;
	_ =	strace $0x90000049  }
0xb2: {  	s29 =	simm.s32 $0x9;
	_ =	strace $0x8000004B  }
0xb3: {  	_ =	swait.ge [sflag:s29], $0x1  }
0xb4: {  	[sflag:s29] =	ssyncadd.s32 $0xFFFFFFFF  }
0xb5: {  	_ =	strace $0x9000004B  }
0xb6: {  	_ =	sfence  }
0xb7: {  	s30 =	sld [smem:$0x0];
	_ =	sdelay $0x2  }
0xb8: {  	s31 =	sshll.u32 s1, $0xD;
	s1 =	sshrl.u32 s1, $0x2  }
0xb9: {  	s3 =	sand.u32 $0x4000, s31;
	s1 =	sadd.s32 s1, s30  }
0xba: {  	s0 =	sor.u32 s3, s0;
	s1 =	sshll.u32 s1, $0x11  }
0xbb: {  	s0 =	sor.u32 s1, s0  }
0xbc: {  	s0 =	sadd.s32 $0x8F2B, s0  }
0xbd: {  	[sflag:s0] =	ssyncadd.remote.s32 $0x1  }
0xbe: {  	_ =	sfence.sel $0xFFFF  }
0xbf: {  	[dreg:$0x0] =	wrdreg $0xFFFFFFFF;
	(pc) =	sbr.abs _section_cstart, $3  }
0xc0: {  	[dreg:$0x1] =	wrdreg $0xFFFFFFFF  }
0xc1: {  	_ =	task.clear_ibuf [dreg:s7], $0x2FFFF;
	_ =	strace $0x9FFFFFFF  }
0xc2: {  	(tm) =	ssettm $0x7FFFFFFF  }
0xc3: {  	_ =	shalt  }
tec
execute0_lowered:
.L_overlay_start_1:
0x0: {  	(tag) =	ssettag $0x1  }
0x1: {  	s0 =	rddreg [dreg:$0x0]  }
0x2: {  	s1 =	rddreg [dreg:$0x1]  }
0x3: {  	s3 =	srdreg.scid;
	s4 =	stileid.u32  }
0x4: {  	s2 =	simm.s32 $0x0;
	s13 =	simm.s32 $0xA00;
	s14 =	simm.s32 $0x1200  }
0x5: {  	s15 =	simm.s32 $0x1A00;
	s16 =	simm.s32 $0x2200;
	s17 =	simm.s32 $0x2A00  }
0x6: {  	s18 =	simm.s32 $0x3200;
	s19 =	simm.s32 $0x3A00;
	s20 =	simm.s32 $0x4200  }
0x7: {  	s21 =	simm.s32 $0x4A00;
	s22 =	simm.s32 $0x5200;
	s23 =	simm.s32 $0x5A00  }
0x8: {  	s24 =	simm.s32 $0x6200;
	s28 =	simm.s32 $0x7A00;
	s29 =	simm.s32 $0x8200  }
0x9: {  	s30 =	simm.s32 $0x8A00;
	s31 =	simm.s32 $0x9200;
	s9 =	simm.s32 $0xAA00  }
0xa: {  	s10 =	simm.s32 $0xBA00;
	s3 =	sand.u32 $0x1, s3;
	s4 =	sshll.u32 s4, $0x1  }
0xb: {  	s11 =	simm.s32 $0xC200;
	[smem:$0x7FF] =	sst s2;
	s4 =	sor.u32 s3, s4  }
0xc: {  	_ =	strace $0x8000004A;
	s7 =	ssub.s32 $0x2, s3;
	s6 =	sshll.u32 s4, $0x6  }
0xd: {  	s3 =	sadd.s32 $0x61C00, s0;
	s5 =	smul.u32 $0x6000, s4;
	s6 =	sadd.s32 s6, s0  }
0xe: {  	s4 =	smul.u32 $0x30000, s4;
	s8 =	sshrl.u32 s7, $0x1;
	s6 =	sadd.s32 $0x61400, s6  }
0xf: {  	s25 =	ssub.s32 s7, s8;
	s5 =	sadd.s32 s1, s5;
	[dreg:$0x3] =	wrdreg s6  }
0x10: {  	s8 =	simm.s32 $0x3;
	s4 =	sshrl.u32 s4, $0x3;
	[dreg:$0x7] =	wrdreg s5  }
0x11: {  	s5 =	sadd.s32 $0x1800, s5;
	s1 =	sadd.s32 s1, s4;
	s6 =	sadd.s32 $0x61E00, s0  }
0x12: {  	v2 =	vlaneseq.u32;
	s4 =	smax.u32 s25, $0x1;
	[dreg:$0x4] =	wrdreg s5;
	s26 =	sadd.s32 $0x3000, s1  }
0x13: {  	vm0 =	vmmov $0xffff;
	v1 =	vshrl.u32 v2, $0x3;
	s25 =	simm.s32 $0x6A00;
	s1 =	sadd.s32 $0x4800, s1;
	[dreg:$0x5] =	wrdreg s26  }
0x14: {  	v0 =	vand.u32 $0x7, v2;
	v2 =	vor.u32 $0x8, v2;
	v1 =	vmul.u32 $0x8, v1;
	s5 =	sadd.s32 $0x61D00, s0;
	[dreg:$0x6] =	wrdreg s1;
	s26 =	simm.s32 $0x7200  }
.LBB2_1:
0x15: {  	s12 =	rddreg [dreg:$0x3]  }
0x16: {  	[tilespmem:s2], [sflag:$0x3] =	stream.linear.gather [hbm4b:s12+s2], $0x200, $0x38;
	[tilespmem:$0x18200] =	vst v63  }
0x17: {  	_ =	swait.ge [sflag:s8], $0x200  }
0x18: {  	[sflag:s8] =	ssyncset.done $0x0  }
0x19: {  	[sflag:s8] =	ssyncadd.s32 $0xFFFFFE00  }
0x1a: {  	v3 =	vld [tilespmem:$0x0];
	_ =	sdelay $0x4  }
0x1b: {  	v4 =	vshrl.u32 v3, $0x3  }
0x1c: {  	v4 =	vmul.u32 $0x30, v4  }
0x1d: {  	v3 =	vand.u32 $0x7, v3  }
0x1e: {  	v3 =	vor.u32 v3, v4  }
0x1f: {  	v4 =	vperm.xlane v3, v0;
	_ =	sdelay $0x1  }
0x20: {  	v4 =	vadd.s32 v1, v4;
	_ =	sdelay $0x3  }
0x21: {  	s0 =	simm.s32 $0x200;
	v3 =	vperm.xlane v3, v2  }
0x22: {  	[tilespmem:s0], [sflag:$0x1] =	stream.indirect_vreg.gather [hbm4b:s3+s2], $0x80, v4, vm0, $0xb8;
	[tilespmem:$0x18200] =	vst v63  }
0x23: {  	v3 =	vadd.s32 v1, v3  }
0x24: {  	[tilespmem:s13], [sflag:$0x1] =	stream.indirect_vreg.gather [hbm4b:s5+s2], $0x80, v4, vm0, $0xb8;
	[tilespmem:$0x18200] =	vst v63  }
0x25: {  	_ = 	snop  }
0x26: {  	[tilespmem:s14], [sflag:$0x1] =	stream.indirect_vreg.gather [hbm4b:s6+s2], $0x80, v4, vm0, $0xb8;
	[tilespmem:$0x18200] =	vst v63  }
0x27: {  	_ = 	snop  }
0x28: {  	[tilespmem:s15], [sflag:$0x1] =	stream.indirect_vreg.gather [hbm4b:s3+s2], $0x80, v3, vm0, $0xb8;
	[tilespmem:$0x18200] =	vst v63  }
0x29: {  	_ = 	snop  }
0x2a: {  	[tilespmem:s16], [sflag:$0x1] =	stream.indirect_vreg.gather [hbm4b:s5+s2], $0x80, v3, vm0, $0xb8;
	[tilespmem:$0x18200] =	vst v63  }
0x2b: {  	_ = 	snop  }
0x2c: {  	[tilespmem:s17], [sflag:$0x1] =	stream.indirect_vreg.gather [hbm4b:s6+s2], $0x80, v3, vm0, $0xb8;
	[tilespmem:$0x18200] =	vst v63  }
0x2d: {  	v3 =	vld [tilespmem:$0x10];
	_ =	sdelay $0x4  }
0x2e: {  	v49 =	vshrl.u32 v3, $0x3  }
0x2f: {  	v4 =	vmul.u32 $0x30, v49  }
0x30: {  	v3 =	vand.u32 $0x7, v3  }
0x31: {  	v3 =	vor.u32 v3, v4  }
0x32: {  	v4 =	vperm.xlane v3, v0;
	_ =	sdelay $0x1  }
0x33: {  	v4 =	vadd.s32 v1, v4;
	_ =	sdelay $0x3  }
0x34: {  	v3 =	vperm.xlane v3, v2  }
0x35: {  	[tilespmem:s18], [sflag:$0x1] =	stream.indirect_vreg.gather [hbm4b:s3+s2], $0x80, v4, vm0, $0xb8;
	[tilespmem:$0x18200] =	vst v63  }
0x36: {  	v3 =	vadd.s32 v1, v3  }
0x37: {  	[tilespmem:s19], [sflag:$0x1] =	stream.indirect_vreg.gather [hbm4b:s5+s2], $0x80, v4, vm0, $0xb8;
	[tilespmem:$0x18200] =	vst v63  }
0x38: {  	_ = 	snop  }
0x39: {  	[tilespmem:s20], [sflag:$0x1] =	stream.indirect_vreg.gather [hbm4b:s6+s2], $0x80, v4, vm0, $0xb8;
	[tilespmem:$0x18200] =	vst v63  }
0x3a: {  	_ = 	snop  }
0x3b: {  	[tilespmem:s21], [sflag:$0x1] =	stream.indirect_vreg.gather [hbm4b:s3+s2], $0x80, v3, vm0, $0xb8;
	[tilespmem:$0x18200] =	vst v63  }
0x3c: {  	_ = 	snop  }
0x3d: {  	[tilespmem:s22], [sflag:$0x1] =	stream.indirect_vreg.gather [hbm4b:s5+s2], $0x80, v3, vm0, $0xb8;
	[tilespmem:$0x18200] =	vst v63  }
0x3e: {  	_ = 	snop  }
0x3f: {  	[tilespmem:s23], [sflag:$0x1] =	stream.indirect_vreg.gather [hbm4b:s6+s2], $0x80, v3, vm0, $0xb8;
	[tilespmem:$0x18200] =	vst v63  }
0x40: {  	v3 =	vld [tilespmem:$0x20];
	_ =	sdelay $0x4  }
0x41: {  	v50 =	vshrl.u32 v3, $0x3  }
0x42: {  	v4 =	vmul.u32 $0x30, v50  }
0x43: {  	v3 =	vand.u32 $0x7, v3  }
0x44: {  	v3 =	vor.u32 v3, v4  }
0x45: {  	v4 =	vperm.xlane v3, v0;
	_ =	sdelay $0x1  }
0x46: {  	v4 =	vadd.s32 v1, v4;
	_ =	sdelay $0x3  }
0x47: {  	v3 =	vperm.xlane v3, v2  }
0x48: {  	[tilespmem:s24], [sflag:$0x1] =	stream.indirect_vreg.gather [hbm4b:s3+s2], $0x80, v4, vm0, $0xb8;
	[tilespmem:$0x18200] =	vst v63  }
0x49: {  	v3 =	vadd.s32 v1, v3  }
0x4a: {  	[tilespmem:s25], [sflag:$0x1] =	stream.indirect_vreg.gather [hbm4b:s5+s2], $0x80, v4, vm0, $0xb8;
	[tilespmem:$0x18200] =	vst v63  }
0x4b: {  	_ = 	snop  }
0x4c: {  	[tilespmem:s26], [sflag:$0x1] =	stream.indirect_vreg.gather [hbm4b:s6+s2], $0x80, v4, vm0, $0xb8;
	[tilespmem:$0x18200] =	vst v63  }
0x4d: {  	_ = 	snop  }
0x4e: {  	[tilespmem:s28], [sflag:$0x1] =	stream.indirect_vreg.gather [hbm4b:s3+s2], $0x80, v3, vm0, $0xb8;
	[tilespmem:$0x18200] =	vst v63  }
0x4f: {  	_ = 	snop  }
0x50: {  	[tilespmem:s29], [sflag:$0x1] =	stream.indirect_vreg.gather [hbm4b:s5+s2], $0x80, v3, vm0, $0xb8;
	[tilespmem:$0x18200] =	vst v63  }
0x51: {  	_ = 	snop  }
0x52: {  	[tilespmem:s30], [sflag:$0x1] =	stream.indirect_vreg.gather [hbm4b:s6+s2], $0x80, v3, vm0, $0xb8;
	[tilespmem:$0x18200] =	vst v63  }
0x53: {  	v3 =	vld [tilespmem:$0x30];
	_ =	sdelay $0x4  }
0x54: {  	v51 =	vshrl.u32 v3, $0x3  }
0x55: {  	v4 =	vmul.u32 $0x30, v51  }
0x56: {  	v3 =	vand.u32 $0x7, v3  }
0x57: {  	v3 =	vor.u32 v3, v4  }
0x58: {  	v4 =	vperm.xlane v3, v0;
	_ =	sdelay $0x1  }
0x59: {  	v4 =	vadd.s32 v1, v4;
	_ =	sdelay $0x3  }
0x5a: {  	v3 =	vperm.xlane v3, v2  }
0x5b: {  	[tilespmem:s31], [sflag:$0x1] =	stream.indirect_vreg.gather [hbm4b:s3+s2], $0x80, v4, vm0, $0xb8;
	[tilespmem:$0x18200] =	vst v63  }
0x5c: {  	s7 =	simm.s32 $0x9A00;
	v3 =	vadd.s32 v1, v3  }
0x5d: {  	[tilespmem:s7], [sflag:$0x1] =	stream.indirect_vreg.gather [hbm4b:s5+s2], $0x80, v4, vm0, $0xb8;
	[tilespmem:$0x18200] =	vst v63  }
0x5e: {  	s1 =	simm.s32 $0xA200  }
0x5f: {  	[tilespmem:s1], [sflag:$0x1] =	stream.indirect_vreg.gather [hbm4b:s6+s2], $0x80, v4, vm0, $0xb8;
	[tilespmem:$0x18200] =	vst v63  }
0x60: {  	_ = 	snop  }
0x61: {  	[tilespmem:s9], [sflag:$0x1] =	stream.indirect_vreg.gather [hbm4b:s3+s2], $0x80, v3, vm0, $0xb8;
	[tilespmem:$0x18200] =	vst v63  }
0x62: {  	s12 =	simm.s32 $0xB200  }
0x63: {  	[tilespmem:s12], [sflag:$0x1] =	stream.indirect_vreg.gather [hbm4b:s5+s2], $0x80, v3, vm0, $0xb8;
	[tilespmem:$0x18200] =	vst v63  }
0x64: {  	_ = 	snop  }
0x65: {  	[tilespmem:s10], [sflag:$0x1] =	stream.indirect_vreg.gather [hbm4b:s6+s2], $0x80, v3, vm0, $0xb8;
	[tilespmem:$0x18200] =	vst v63  }
0x66: {  	v3 =	vld [tilespmem:$0x80];
	_ =	sdelay $0x4  }
0x67: {  	v52 =	vshrl.u32 v3, $0x3  }
0x68: {  	v4 =	vmul.u32 $0x30, v52  }
0x69: {  	v3 =	vand.u32 $0x7, v3  }
0x6a: {  	v3 =	vor.u32 v3, v4  }
0x6b: {  	v4 =	vperm.xlane v3, v0;
	_ =	sdelay $0x1  }
0x6c: {  	v4 =	vadd.s32 v1, v4;
	_ =	sdelay $0x3  }
0x6d: {  	v3 =	vperm.xlane v3, v2  }
0x6e: {  	[tilespmem:s11], [sflag:$0x2] =	stream.indirect_vreg.gather [hbm4b:s3+s2], $0x80, v4, vm0, $0xb8;
	[tilespmem:$0x18200] =	vst v63  }
0x6f: {  	s7 =	simm.s32 $0xCA00;
	v3 =	vadd.s32 v1, v3  }
0x70: {  	[tilespmem:s7], [sflag:$0x2] =	stream.indirect_vreg.gather [hbm4b:s5+s2], $0x80, v4, vm0, $0xb8;
	[tilespmem:$0x18200] =	vst v63  }
0x71: {  	s12 =	simm.s32 $0xD200  }
0x72: {  	[tilespmem:s12], [sflag:$0x2] =	stream.indirect_vreg.gather [hbm4b:s6+s2], $0x80, v4, vm0, $0xb8;
	[tilespmem:$0x18200] =	vst v63  }
0x73: {  	s7 =	simm.s32 $0xDA00  }
0x74: {  	[tilespmem:s7], [sflag:$0x2] =	stream.indirect_vreg.gather [hbm4b:s3+s2], $0x80, v3, vm0, $0xb8;
	[tilespmem:$0x18200] =	vst v63  }
0x75: {  	s12 =	simm.s32 $0xE200  }
0x76: {  	[tilespmem:s12], [sflag:$0x2] =	stream.indirect_vreg.gather [hbm4b:s5+s2], $0x80, v3, vm0, $0xb8;
	[tilespmem:$0x18200] =	vst v63  }
0x77: {  	s7 =	simm.s32 $0xEA00  }
0x78: {  	[tilespmem:s7], [sflag:$0x2] =	stream.indirect_vreg.gather [hbm4b:s6+s2], $0x80, v3, vm0, $0xb8;
	[tilespmem:$0x18200] =	vst v63  }
0x79: {  	v3 =	vld [tilespmem:$0x90];
	_ =	sdelay $0x4  }
0x7a: {  	v53 =	vshrl.u32 v3, $0x3  }
0x7b: {  	v4 =	vmul.u32 $0x30, v53  }
0x7c: {  	v3 =	vand.u32 $0x7, v3  }
0x7d: {  	v3 =	vor.u32 v3, v4  }
0x7e: {  	v4 =	vperm.xlane v3, v0;
	_ =	sdelay $0x1  }
0x7f: {  	v4 =	vadd.s32 v1, v4;
	_ =	sdelay $0x3  }
0x80: {  	s12 =	simm.s32 $0xF200;
	v3 =	vperm.xlane v3, v2  }
0x81: {  	[tilespmem:s12], [sflag:$0x2] =	stream.indirect_vreg.gather [hbm4b:s3+s2], $0x80, v4, vm0, $0xb8;
	[tilespmem:$0x18200] =	vst v63  }
0x82: {  	s7 =	simm.s32 $0xFA00;
	v3 =	vadd.s32 v1, v3  }
0x83: {  	[tilespmem:s7], [sflag:$0x2] =	stream.indirect_vreg.gather [hbm4b:s5+s2], $0x80, v4, vm0, $0xb8;
	[tilespmem:$0x18200] =	vst v63  }
0x84: {  	s12 =	simm.s32 $0x10200  }
0x85: {  	[tilespmem:s12], [sflag:$0x2] =	stream.indirect_vreg.gather [hbm4b:s6+s2], $0x80, v4, vm0, $0xb8;
	[tilespmem:$0x18200] =	vst v63  }
0x86: {  	s7 =	simm.s32 $0x10A00  }
0x87: {  	[tilespmem:s7], [sflag:$0x2] =	stream.indirect_vreg.gather [hbm4b:s3+s2], $0x80, v3, vm0, $0xb8;
	[tilespmem:$0x18200] =	vst v63  }
0x88: {  	s12 =	simm.s32 $0x11200  }
0x89: {  	[tilespmem:s12], [sflag:$0x2] =	stream.indirect_vreg.gather [hbm4b:s5+s2], $0x80, v3, vm0, $0xb8;
	[tilespmem:$0x18200] =	vst v63  }
0x8a: {  	s7 =	simm.s32 $0x11A00  }
0x8b: {  	[tilespmem:s7], [sflag:$0x2] =	stream.indirect_vreg.gather [hbm4b:s6+s2], $0x80, v3, vm0, $0xb8;
	[tilespmem:$0x18200] =	vst v63  }
0x8c: {  	v3 =	vld [tilespmem:$0xA0];
	_ =	sdelay $0x4  }
0x8d: {  	v54 =	vshrl.u32 v3, $0x3  }
0x8e: {  	v4 =	vmul.u32 $0x30, v54  }
0x8f: {  	v3 =	vand.u32 $0x7, v3  }
0x90: {  	v3 =	vor.u32 v3, v4  }
0x91: {  	v4 =	vperm.xlane v3, v0;
	_ =	sdelay $0x1  }
0x92: {  	v4 =	vadd.s32 v1, v4;
	_ =	sdelay $0x3  }
0x93: {  	s12 =	simm.s32 $0x12200;
	v3 =	vperm.xlane v3, v2  }
0x94: {  	[tilespmem:s12], [sflag:$0x2] =	stream.indirect_vreg.gather [hbm4b:s3+s2], $0x80, v4, vm0, $0xb8;
	[tilespmem:$0x18200] =	vst v63  }
0x95: {  	s7 =	simm.s32 $0x12A00;
	v3 =	vadd.s32 v1, v3  }
0x96: {  	[tilespmem:s7], [sflag:$0x2] =	stream.indirect_vreg.gather [hbm4b:s5+s2], $0x80, v4, vm0, $0xb8;
	[tilespmem:$0x18200] =	vst v63  }
0x97: {  	s12 =	simm.s32 $0x13200  }
0x98: {  	[tilespmem:s12], [sflag:$0x2] =	stream.indirect_vreg.gather [hbm4b:s6+s2], $0x80, v4, vm0, $0xb8;
	[tilespmem:$0x18200] =	vst v63  }
0x99: {  	s7 =	simm.s32 $0x13A00  }
0x9a: {  	[tilespmem:s7], [sflag:$0x2] =	stream.indirect_vreg.gather [hbm4b:s3+s2], $0x80, v3, vm0, $0xb8;
	[tilespmem:$0x18200] =	vst v63  }
0x9b: {  	s12 =	simm.s32 $0x14200  }
0x9c: {  	[tilespmem:s12], [sflag:$0x2] =	stream.indirect_vreg.gather [hbm4b:s5+s2], $0x80, v3, vm0, $0xb8;
	[tilespmem:$0x18200] =	vst v63  }
0x9d: {  	s7 =	simm.s32 $0x14A00  }
0x9e: {  	[tilespmem:s7], [sflag:$0x2] =	stream.indirect_vreg.gather [hbm4b:s6+s2], $0x80, v3, vm0, $0xb8;
	[tilespmem:$0x18200] =	vst v63  }
0x9f: {  	v3 =	vld [tilespmem:$0xB0];
	_ =	sdelay $0x4  }
0xa0: {  	v55 =	vshrl.u32 v3, $0x3  }
0xa1: {  	v4 =	vmul.u32 $0x30, v55  }
0xa2: {  	v3 =	vand.u32 $0x7, v3  }
0xa3: {  	v3 =	vor.u32 v3, v4  }
0xa4: {  	v4 =	vperm.xlane v3, v0;
	_ =	sdelay $0x1  }
0xa5: {  	v4 =	vadd.s32 v1, v4;
	_ =	sdelay $0x3  }
0xa6: {  	s12 =	simm.s32 $0x15200;
	v3 =	vperm.xlane v3, v2  }
0xa7: {  	[tilespmem:s12], [sflag:$0x2] =	stream.indirect_vreg.gather [hbm4b:s3+s2], $0x80, v4, vm0, $0xb8;
	[tilespmem:$0x18200] =	vst v63  }
0xa8: {  	s7 =	simm.s32 $0x15A00;
	v3 =	vadd.s32 v1, v3  }
0xa9: {  	[tilespmem:s7], [sflag:$0x2] =	stream.indirect_vreg.gather [hbm4b:s5+s2], $0x80, v4, vm0, $0xb8;
	[tilespmem:$0x18200] =	vst v63  }
0xaa: {  	s12 =	simm.s32 $0x16200  }
0xab: {  	[tilespmem:s12], [sflag:$0x2] =	stream.indirect_vreg.gather [hbm4b:s6+s2], $0x80, v4, vm0, $0xb8;
	[tilespmem:$0x18200] =	vst v63  }
0xac: {  	s7 =	simm.s32 $0x16A00  }
0xad: {  	[tilespmem:s7], [sflag:$0x2] =	stream.indirect_vreg.gather [hbm4b:s3+s2], $0x80, v3, vm0, $0xb8;
	[tilespmem:$0x18200] =	vst v63  }
0xae: {  	s12 =	simm.s32 $0x17200  }
0xaf: {  	[tilespmem:s12], [sflag:$0x2] =	stream.indirect_vreg.gather [hbm4b:s5+s2], $0x80, v3, vm0, $0xb8;
	[tilespmem:$0x18200] =	vst v63  }
0xb0: {  	s0 =	simm.s32 $0x1;
	s7 =	simm.s32 $0x17A00  }
0xb1: {  	[tilespmem:s7], [sflag:$0x2] =	stream.indirect_vreg.gather [hbm4b:s6+s2], $0x80, v3, vm0, $0xb8;
	[tilespmem:$0x18200] =	vst v63  }
0xb2: {  	_ =	swait.ge [sflag:s0], $0xC000  }
0xb3: {  	[sflag:s0] =	ssyncset.done $0x0  }
0xb4: {  	s7 =	simm.s32 $0x200;
	s12 =	rddreg [dreg:$0x7];
	[sflag:s0] =	ssyncadd.s32 $0xFFFF4000  }
0xb5: {  	[hbm4b:s12+s2] =	stream.linear.scatter [tilespmem:s7], [sflag:$0x3], $0xC000, $0x38;
	[tilespmem:$0x18200] =	vst v63  }
0xb6: {  	_ =	swait.ge [sflag:s8], $0xC000  }
0xb7: {  	[sflag:s8] =	ssyncset.done $0x0  }
0xb8: {  	[sflag:s8] =	ssyncadd.s32 $0xFFFF4000  }
0xb9: {  	v3 =	vld [tilespmem:$0x100];
	_ =	sdelay $0x4  }
0xba: {  	v56 =	vshrl.u32 v3, $0x3  }
0xbb: {  	v4 =	vmul.u32 $0x30, v56  }
0xbc: {  	v3 =	vand.u32 $0x7, v3  }
0xbd: {  	v3 =	vor.u32 v3, v4  }
0xbe: {  	v4 =	vperm.xlane v3, v0;
	_ =	sdelay $0x1  }
0xbf: {  	v4 =	vadd.s32 v1, v4;
	_ =	sdelay $0x3  }
0xc0: {  	v3 =	vperm.xlane v3, v2  }
0xc1: {  	[tilespmem:s7], [sflag:$0x1] =	stream.indirect_vreg.gather [hbm4b:s3+s2], $0x80, v4, vm0, $0xb8;
	[tilespmem:$0x18200] =	vst v63  }
0xc2: {  	v3 =	vadd.s32 v1, v3  }
0xc3: {  	[tilespmem:s13], [sflag:$0x1] =	stream.indirect_vreg.gather [hbm4b:s5+s2], $0x80, v4, vm0, $0xb8;
	[tilespmem:$0x18200] =	vst v63  }
0xc4: {  	_ = 	snop  }
0xc5: {  	[tilespmem:s14], [sflag:$0x1] =	stream.indirect_vreg.gather [hbm4b:s6+s2], $0x80, v4, vm0, $0xb8;
	[tilespmem:$0x18200] =	vst v63  }
0xc6: {  	_ = 	snop  }
0xc7: {  	[tilespmem:s15], [sflag:$0x1] =	stream.indirect_vreg.gather [hbm4b:s3+s2], $0x80, v3, vm0, $0xb8;
	[tilespmem:$0x18200] =	vst v63  }
0xc8: {  	_ = 	snop  }
0xc9: {  	[tilespmem:s16], [sflag:$0x1] =	stream.indirect_vreg.gather [hbm4b:s5+s2], $0x80, v3, vm0, $0xb8;
	[tilespmem:$0x18200] =	vst v63  }
0xca: {  	_ = 	snop  }
0xcb: {  	[tilespmem:s17], [sflag:$0x1] =	stream.indirect_vreg.gather [hbm4b:s6+s2], $0x80, v3, vm0, $0xb8;
	[tilespmem:$0x18200] =	vst v63  }
0xcc: {  	v3 =	vld [tilespmem:$0x110];
	_ =	sdelay $0x4  }
0xcd: {  	v57 =	vshrl.u32 v3, $0x3  }
0xce: {  	v4 =	vmul.u32 $0x30, v57  }
0xcf: {  	v3 =	vand.u32 $0x7, v3  }
0xd0: {  	v3 =	vor.u32 v3, v4  }
0xd1: {  	v4 =	vperm.xlane v3, v0;
	_ =	sdelay $0x1  }
0xd2: {  	v4 =	vadd.s32 v1, v4;
	_ =	sdelay $0x3  }
0xd3: {  	v3 =	vperm.xlane v3, v2  }
0xd4: {  	[tilespmem:s18], [sflag:$0x1] =	stream.indirect_vreg.gather [hbm4b:s3+s2], $0x80, v4, vm0, $0xb8;
	[tilespmem:$0x18200] =	vst v63  }
0xd5: {  	v3 =	vadd.s32 v1, v3  }
0xd6: {  	[tilespmem:s19], [sflag:$0x1] =	stream.indirect_vreg.gather [hbm4b:s5+s2], $0x80, v4, vm0, $0xb8;
	[tilespmem:$0x18200] =	vst v63  }
0xd7: {  	_ = 	snop  }
0xd8: {  	[tilespmem:s20], [sflag:$0x1] =	stream.indirect_vreg.gather [hbm4b:s6+s2], $0x80, v4, vm0, $0xb8;
	[tilespmem:$0x18200] =	vst v63  }
0xd9: {  	_ = 	snop  }
0xda: {  	[tilespmem:s21], [sflag:$0x1] =	stream.indirect_vreg.gather [hbm4b:s3+s2], $0x80, v3, vm0, $0xb8;
	[tilespmem:$0x18200] =	vst v63  }
0xdb: {  	_ = 	snop  }
0xdc: {  	[tilespmem:s22], [sflag:$0x1] =	stream.indirect_vreg.gather [hbm4b:s5+s2], $0x80, v3, vm0, $0xb8;
	[tilespmem:$0x18200] =	vst v63  }
0xdd: {  	_ = 	snop  }
0xde: {  	[tilespmem:s23], [sflag:$0x1] =	stream.indirect_vreg.gather [hbm4b:s6+s2], $0x80, v3, vm0, $0xb8;
	[tilespmem:$0x18200] =	vst v63  }
0xdf: {  	v3 =	vld [tilespmem:$0x120];
	_ =	sdelay $0x4  }
0xe0: {  	v58 =	vshrl.u32 v3, $0x3  }
0xe1: {  	v4 =	vmul.u32 $0x30, v58  }
0xe2: {  	v3 =	vand.u32 $0x7, v3  }
0xe3: {  	v3 =	vor.u32 v3, v4  }
0xe4: {  	v4 =	vperm.xlane v3, v0;
	_ =	sdelay $0x1  }
0xe5: {  	v4 =	vadd.s32 v1, v4;
	_ =	sdelay $0x3  }
0xe6: {  	v3 =	vperm.xlane v3, v2  }
0xe7: {  	[tilespmem:s24], [sflag:$0x1] =	stream.indirect_vreg.gather [hbm4b:s3+s2], $0x80, v4, vm0, $0xb8;
	[tilespmem:$0x18200] =	vst v63  }
0xe8: {  	v3 =	vadd.s32 v1, v3  }
0xe9: {  	[tilespmem:s25], [sflag:$0x1] =	stream.indirect_vreg.gather [hbm4b:s5+s2], $0x80, v4, vm0, $0xb8;
	[tilespmem:$0x18200] =	vst v63  }
0xea: {  	_ = 	snop  }
0xeb: {  	[tilespmem:s26], [sflag:$0x1] =	stream.indirect_vreg.gather [hbm4b:s6+s2], $0x80, v4, vm0, $0xb8;
	[tilespmem:$0x18200] =	vst v63  }
0xec: {  	_ = 	snop  }
0xed: {  	[tilespmem:s28], [sflag:$0x1] =	stream.indirect_vreg.gather [hbm4b:s3+s2], $0x80, v3, vm0, $0xb8;
	[tilespmem:$0x18200] =	vst v63  }
0xee: {  	_ = 	snop  }
0xef: {  	[tilespmem:s29], [sflag:$0x1] =	stream.indirect_vreg.gather [hbm4b:s5+s2], $0x80, v3, vm0, $0xb8;
	[tilespmem:$0x18200] =	vst v63  }
0xf0: {  	_ = 	snop  }
0xf1: {  	[tilespmem:s30], [sflag:$0x1] =	stream.indirect_vreg.gather [hbm4b:s6+s2], $0x80, v3, vm0, $0xb8;
	[tilespmem:$0x18200] =	vst v63  }
0xf2: {  	v3 =	vld [tilespmem:$0x130];
	_ =	sdelay $0x4  }
0xf3: {  	v59 =	vshrl.u32 v3, $0x3  }
0xf4: {  	v4 =	vmul.u32 $0x30, v59  }
0xf5: {  	v3 =	vand.u32 $0x7, v3  }
0xf6: {  	v3 =	vor.u32 v3, v4  }
0xf7: {  	v4 =	vperm.xlane v3, v0;
	_ =	sdelay $0x1  }
0xf8: {  	v4 =	vadd.s32 v1, v4;
	_ =	sdelay $0x3  }
0xf9: {  	v3 =	vperm.xlane v3, v2  }
0xfa: {  	[tilespmem:s31], [sflag:$0x1] =	stream.indirect_vreg.gather [hbm4b:s3+s2], $0x80, v4, vm0, $0xb8;
	[tilespmem:$0x18200] =	vst v63  }
0xfb: {  	s12 =	simm.s32 $0x9A00;
	v3 =	vadd.s32 v1, v3  }
0xfc: {  	[tilespmem:s12], [sflag:$0x1] =	stream.indirect_vreg.gather [hbm4b:s5+s2], $0x80, v4, vm0, $0xb8;
	[tilespmem:$0x18200] =	vst v63  }
0xfd: {  	_ = 	snop  }
0xfe: {  	[tilespmem:s1], [sflag:$0x1] =	stream.indirect_vreg.gather [hbm4b:s6+s2], $0x80, v4, vm0, $0xb8;
	[tilespmem:$0x18200] =	vst v63  }
0xff: {  	_ = 	snop  }
0x100: {  	[tilespmem:s9], [sflag:$0x1] =	stream.indirect_vreg.gather [hbm4b:s3+s2], $0x80, v3, vm0, $0xb8;
	[tilespmem:$0x18200] =	vst v63  }
0x101: {  	s12 =	simm.s32 $0xB200  }
0x102: {  	[tilespmem:s12], [sflag:$0x1] =	stream.indirect_vreg.gather [hbm4b:s5+s2], $0x80, v3, vm0, $0xb8;
	[tilespmem:$0x18200] =	vst v63  }
0x103: {  	s1 =	simm.s32 $0x2  }
0x104: {  	[tilespmem:s10], [sflag:$0x1] =	stream.indirect_vreg.gather [hbm4b:s6+s2], $0x80, v3, vm0, $0xb8;
	[tilespmem:$0x18200] =	vst v63  }
0x105: {  	_ =	swait.ge [sflag:s1], $0xC000  }
0x106: {  	[sflag:s1] =	ssyncset.done $0x0  }
0x107: {  	s7 =	rddreg [dreg:$0x4];
	[sflag:s1] =	ssyncadd.s32 $0xFFFF4000  }
0x108: {  	[hbm4b:s7+s2] =	stream.linear.scatter [tilespmem:s11], [sflag:$0x3], $0xC000, $0x38;
	[tilespmem:$0x18200] =	vst v63  }
0x109: {  	_ =	swait.ge [sflag:s8], $0xC000  }
0x10a: {  	[sflag:s8] =	ssyncset.done $0x0  }
0x10b: {  	[sflag:s8] =	ssyncadd.s32 $0xFFFF4000  }
0x10c: {  	v3 =	vld [tilespmem:$0x180];
	_ =	sdelay $0x4  }
0x10d: {  	v60 =	vshrl.u32 v3, $0x3  }
0x10e: {  	v4 =	vmul.u32 $0x30, v60  }
0x10f: {  	v3 =	vand.u32 $0x7, v3  }
0x110: {  	v3 =	vor.u32 v3, v4  }
0x111: {  	v4 =	vperm.xlane v3, v0;
	_ =	sdelay $0x1  }
0x112: {  	v4 =	vadd.s32 v1, v4;
	_ =	sdelay $0x3  }
0x113: {  	v3 =	vperm.xlane v3, v2  }
0x114: {  	[tilespmem:s11], [sflag:$0x2] =	stream.indirect_vreg.gather [hbm4b:s3+s2], $0x80, v4, vm0, $0xb8;
	[tilespmem:$0x18200] =	vst v63  }
0x115: {  	s12 =	simm.s32 $0xCA00;
	v3 =	vadd.s32 v1, v3  }
0x116: {  	[tilespmem:s12], [sflag:$0x2] =	stream.indirect_vreg.gather [hbm4b:s5+s2], $0x80, v4, vm0, $0xb8;
	[tilespmem:$0x18200] =	vst v63  }
0x117: {  	s12 =	simm.s32 $0xD200  }
0x118: {  	[tilespmem:s12], [sflag:$0x2] =	stream.indirect_vreg.gather [hbm4b:s6+s2], $0x80, v4, vm0, $0xb8;
	[tilespmem:$0x18200] =	vst v63  }
0x119: {  	s12 =	simm.s32 $0xDA00  }
0x11a: {  	[tilespmem:s12], [sflag:$0x2] =	stream.indirect_vreg.gather [hbm4b:s3+s2], $0x80, v3, vm0, $0xb8;
	[tilespmem:$0x18200] =	vst v63  }
0x11b: {  	s12 =	simm.s32 $0xE200  }
0x11c: {  	[tilespmem:s12], [sflag:$0x2] =	stream.indirect_vreg.gather [hbm4b:s5+s2], $0x80, v3, vm0, $0xb8;
	[tilespmem:$0x18200] =	vst v63  }
0x11d: {  	s12 =	simm.s32 $0xEA00  }
0x11e: {  	[tilespmem:s12], [sflag:$0x2] =	stream.indirect_vreg.gather [hbm4b:s6+s2], $0x80, v3, vm0, $0xb8;
	[tilespmem:$0x18200] =	vst v63  }
0x11f: {  	v3 =	vld [tilespmem:$0x190];
	_ =	sdelay $0x4  }
0x120: {  	v61 =	vshrl.u32 v3, $0x3  }
0x121: {  	v4 =	vmul.u32 $0x30, v61  }
0x122: {  	v3 =	vand.u32 $0x7, v3  }
0x123: {  	v3 =	vor.u32 v3, v4  }
0x124: {  	v4 =	vperm.xlane v3, v0;
	_ =	sdelay $0x1  }
0x125: {  	v4 =	vadd.s32 v1, v4;
	_ =	sdelay $0x3  }
0x126: {  	s12 =	simm.s32 $0xF200;
	v3 =	vperm.xlane v3, v2  }
0x127: {  	[tilespmem:s12], [sflag:$0x2] =	stream.indirect_vreg.gather [hbm4b:s3+s2], $0x80, v4, vm0, $0xb8;
	[tilespmem:$0x18200] =	vst v63  }
0x128: {  	v3 =	vadd.s32 v1, v3;
	s12 =	simm.s32 $0xFA00  }
0x129: {  	[tilespmem:s12], [sflag:$0x2] =	stream.indirect_vreg.gather [hbm4b:s5+s2], $0x80, v4, vm0, $0xb8;
	[tilespmem:$0x18200] =	vst v63  }
0x12a: {  	s12 =	simm.s32 $0x10200  }
0x12b: {  	[tilespmem:s12], [sflag:$0x2] =	stream.indirect_vreg.gather [hbm4b:s6+s2], $0x80, v4, vm0, $0xb8;
	[tilespmem:$0x18200] =	vst v63  }
0x12c: {  	s12 =	simm.s32 $0x10A00  }
0x12d: {  	[tilespmem:s12], [sflag:$0x2] =	stream.indirect_vreg.gather [hbm4b:s3+s2], $0x80, v3, vm0, $0xb8;
	[tilespmem:$0x18200] =	vst v63  }
0x12e: {  	s12 =	simm.s32 $0x11200  }
0x12f: {  	[tilespmem:s12], [sflag:$0x2] =	stream.indirect_vreg.gather [hbm4b:s5+s2], $0x80, v3, vm0, $0xb8;
	[tilespmem:$0x18200] =	vst v63  }
0x130: {  	s12 =	simm.s32 $0x11A00  }
0x131: {  	[tilespmem:s12], [sflag:$0x2] =	stream.indirect_vreg.gather [hbm4b:s6+s2], $0x80, v3, vm0, $0xb8;
	[tilespmem:$0x18200] =	vst v63  }
0x132: {  	v3 =	vld [tilespmem:$0x1A0];
	_ =	sdelay $0x4  }
0x133: {  	v62 =	vshrl.u32 v3, $0x3  }
0x134: {  	v4 =	vmul.u32 $0x30, v62  }
0x135: {  	v3 =	vand.u32 $0x7, v3  }
0x136: {  	v3 =	vor.u32 v3, v4  }
0x137: {  	v4 =	vperm.xlane v3, v0;
	_ =	sdelay $0x1  }
0x138: {  	v4 =	vadd.s32 v1, v4;
	_ =	sdelay $0x3  }
0x139: {  	s12 =	simm.s32 $0x12200;
	v3 =	vperm.xlane v3, v2  }
0x13a: {  	[tilespmem:s12], [sflag:$0x2] =	stream.indirect_vreg.gather [hbm4b:s3+s2], $0x80, v4, vm0, $0xb8;
	[tilespmem:$0x18200] =	vst v63  }
0x13b: {  	v3 =	vadd.s32 v1, v3;
	s12 =	simm.s32 $0x12A00  }
0x13c: {  	[tilespmem:s12], [sflag:$0x2] =	stream.indirect_vreg.gather [hbm4b:s5+s2], $0x80, v4, vm0, $0xb8;
	[tilespmem:$0x18200] =	vst v63  }
0x13d: {  	s12 =	simm.s32 $0x13200  }
0x13e: {  	[tilespmem:s12], [sflag:$0x2] =	stream.indirect_vreg.gather [hbm4b:s6+s2], $0x80, v4, vm0, $0xb8;
	[tilespmem:$0x18200] =	vst v63  }
0x13f: {  	s12 =	simm.s32 $0x13A00  }
0x140: {  	[tilespmem:s12], [sflag:$0x2] =	stream.indirect_vreg.gather [hbm4b:s3+s2], $0x80, v3, vm0, $0xb8;
	[tilespmem:$0x18200] =	vst v63  }
0x141: {  	s12 =	simm.s32 $0x14200  }
0x142: {  	[tilespmem:s12], [sflag:$0x2] =	stream.indirect_vreg.gather [hbm4b:s5+s2], $0x80, v3, vm0, $0xb8;
	[tilespmem:$0x18200] =	vst v63  }
0x143: {  	s12 =	simm.s32 $0x14A00  }
0x144: {  	[tilespmem:s12], [sflag:$0x2] =	stream.indirect_vreg.gather [hbm4b:s6+s2], $0x80, v3, vm0, $0xb8;
	[tilespmem:$0x18200] =	vst v63  }
0x145: {  	v3 =	vld [tilespmem:$0x1B0];
	_ =	sdelay $0x4  }
0x146: {  	v63 =	vshrl.u32 v3, $0x3  }
0x147: {  	v4 =	vmul.u32 $0x30, v63  }
0x148: {  	v3 =	vand.u32 $0x7, v3  }
0x149: {  	v3 =	vor.u32 v3, v4  }
0x14a: {  	v4 =	vperm.xlane v3, v0;
	_ =	sdelay $0x1  }
0x14b: {  	v4 =	vadd.s32 v1, v4;
	_ =	sdelay $0x3  }
0x14c: {  	s12 =	simm.s32 $0x15200;
	v3 =	vperm.xlane v3, v2  }
0x14d: {  	[tilespmem:s12], [sflag:$0x2] =	stream.indirect_vreg.gather [hbm4b:s3+s2], $0x80, v4, vm0, $0xb8;
	[tilespmem:$0x18200] =	vst v63  }
0x14e: {  	v3 =	vadd.s32 v1, v3;
	s12 =	simm.s32 $0x15A00  }
0x14f: {  	[tilespmem:s12], [sflag:$0x2] =	stream.indirect_vreg.gather [hbm4b:s5+s2], $0x80, v4, vm0, $0xb8;
	[tilespmem:$0x18200] =	vst v63  }
0x150: {  	s12 =	simm.s32 $0x16200  }
0x151: {  	[tilespmem:s12], [sflag:$0x2] =	stream.indirect_vreg.gather [hbm4b:s6+s2], $0x80, v4, vm0, $0xb8;
	[tilespmem:$0x18200] =	vst v63  }
0x152: {  	s12 =	simm.s32 $0x16A00  }
0x153: {  	[tilespmem:s12], [sflag:$0x2] =	stream.indirect_vreg.gather [hbm4b:s3+s2], $0x80, v3, vm0, $0xb8;
	[tilespmem:$0x18200] =	vst v63  }
0x154: {  	s12 =	simm.s32 $0x17200  }
0x155: {  	[tilespmem:s12], [sflag:$0x2] =	stream.indirect_vreg.gather [hbm4b:s5+s2], $0x80, v3, vm0, $0xb8;
	[tilespmem:$0x18200] =	vst v63  }
0x156: {  	s12 =	simm.s32 $0x17A00  }
0x157: {  	[tilespmem:s12], [sflag:$0x2] =	stream.indirect_vreg.gather [hbm4b:s6+s2], $0x80, v3, vm0, $0xb8;
	[tilespmem:$0x18200] =	vst v63  }
0x158: {  	_ =	swait.ge [sflag:s0], $0xC000  }
0x159: {  	[sflag:s0] =	ssyncset.done $0x0  }
0x15a: {  	s7 =	simm.s32 $0x200;
	s12 =	rddreg [dreg:$0x5];
	[sflag:s0] =	ssyncadd.s32 $0xFFFF4000  }
0x15b: {  	[hbm4b:s12+s2] =	stream.linear.scatter [tilespmem:s7], [sflag:$0x3], $0xC000, $0x38;
	[tilespmem:$0x18200] =	vst v63  }
0x15c: {  	_ =	swait.ge [sflag:s8], $0xC000  }
0x15d: {  	[sflag:s8] =	ssyncset.done $0x0  }
0x15e: {  	[sflag:s8] =	ssyncadd.s32 $0xFFFF4000  }
0x15f: {  	_ =	swait.ge [sflag:s1], $0xC000  }
0x160: {  	p0 =	sne.s32 s4, $0x1;
	[sflag:s1] =	ssyncset.done $0x0  }
.Ltmp0:
0x161: {  	s7 =	rddreg [dreg:$0x6];
	[sflag:s1] =	ssyncadd.s32 $0xFFFF4000;
	(pc) =	sbr.rel @p0 .LBB2_1-.Ltmp0, $4  }
0x162: {  	[hbm4b:s7+s2] =	stream.linear.scatter [tilespmem:s11], [sflag:$0x3], $0xC000, $0x38;
	[tilespmem:$0x18200] =	vst v63  }
0x163: {  	_ =	swait.ge [sflag:s8], $0xC000  }
0x164: {  	[sflag:s8] =	ssyncset.done $0x0  }
0x165: {  	s4 =	sadd.s32 $0xFFFFFFFF, s4;
	[sflag:s8] =	ssyncadd.s32 $0xFFFF4000  }
0x166: {  	_ =	sfence.sel $0x180000  }
0x167: {  	[bflag:$0x0] =	sbarrier.arrive $0xFFFF  }
0x168: {  	_ =	strace $0x9000004A  }
0x169: {  	s0 =	stileid.u32;
	[bflag:$0x2] =	sbarrier.arrive $0xFFFF  }
0x16a: {  	p0 =	sne.s32 s0, $0x0;
	s0 =	rddreg [dreg:$0x2]  }
0x16b: {  	s0 =	sadd.s32 @!p0 $0x100000, s0  }
0x16c: {  	[sflag:s0] =	ssyncadd.tile.s32 @!p0 $0x1;
	_ =	shalt  }
.Lfunc_end2:
_tile_overlayer_lowered:
.L_overlay_start_2:
0x16d: {  	(tag) =	ssettag $0x2  }
0x16e: {  	s0 =	rddreg [dreg:$0x0];
	s2 =	stileid.u32  }
0x16f: {  	s1 =	rddreg [dreg:$0x1];
	p0 =	sne.s32 s2, $0x0  }
0x170: {  	s3 =	rddreg [dreg:$0x2];
	[bflag:$0x3] =	sbarrier.arrive $0xFFFF;
	s2 =	simm.s32 @!p0 $0x1C03  }
0x171: {  	[timem:s3], [sflag:s2] =	dma.local @!p0 [hbm:s0], s1  }
0x172: {  	s0 =	simm.s32 @!p0 $0x3  }
0x173: {  	_ =	swait.ge @!p0 [sflag:s0], s1  }
0x174: {  	s1 =	ssub.s32 @!p0 $0x0, s1;
	[sflag:s0] =	ssyncset.done @!p0 $0x0  }
0x175: {  	[sflag:s0] =	ssyncadd.s32 @!p0 s1  }
0x176: {  	[bflag:$0x3] =	sbarrier.arrive $0xFFFF  }
0x177: {  	_ =	shalt  }

// kernel: kernel.7.cloned.1.call-start
scs
__scs_entry_jumppad:
0x0: {  	(pc) =	sbr.rel $0x88, $3  }
0x1: {  	(tag) =	ssettag $0x0;
	lr =	simm.s32 $0x1  }
0x2: {  	[smem:$0x3F98] =	sst lr;
	_ =	strace $0xD0000000  }
0x3: {  	_ = 	snop  }
0x4: {  	_ = 	snop  }
0x5: {  	_ = 	snop  }
0x6: {  	_ = 	snop  }
0x7: {  	_ = 	snop  }
__scs_overlays_trampoline_lowered:
0x8: {  	[smem:$0x3FA7] =	sst s0  }
0x9: {  	[smem:$0x3FA8] =	sst s1  }
0xa: {  	[smem:$0x3FA9] =	sst s2  }
0xb: {  	[smem:$0x3FAA] =	sst s3  }
0xc: {  	[smem:$0x3FAB] =	sst s4  }
0xd: {  	[smem:$0x3FAC] =	sst s5  }
0xe: {  	[smem:$0x3FAD] =	sst s6  }
0xf: {  	[smem:$0x3FAE] =	sst s7  }
0x10: {  	[smem:$0x3FAF] =	sst s8  }
0x11: {  	[smem:$0x3FB0] =	sst s9;
	s0 =	simm.s32 @!p0 $0x0  }
0x12: {  	s1 =	sld [smem:$0x3F96];
	s0 =	simm.s32 @p0 $0x1  }
0x13: {  	[smem:$0x3FB1] =	sst s0;
	s0 =	simm.s32 @!p1 $0x0  }
0x14: {  	s2 =	sld [smem:$0x3F95];
	s0 =	simm.s32 @p1 $0x1  }
0x15: {  	[smem:$0x3FB2] =	sst s0;
	s0 =	simm.s32 @!p2 $0x0  }
0x16: {  	s3 =	sld [smem:$0x3FDB];
	s0 =	simm.s32 @p2 $0x1  }
0x17: {  	s4 =	simm.s32 $0x1BF5;
	[smem:$0x3FB4] =	sst s0  }
0x18: {  	s0 =	sld [smem:$0x3F97];
	_ =	swait.ge [sflag:s4], $0x0  }
0x19: {  	s7 =	sld [smem:$0x3F98]  }
0x1a: {  	s8 =	sadd.s32 $0xFFFFE003, lr  }
0x1b: {  	s9 =	sadd.s32 $0xFFFFFEF7, lr;
	s5 =	simm.s32 $0xFFFFFFFF;
	p2 =	slt.u32 s8, $0xFFFFF086  }
0x1c: {  	p1 =	slt.u32 s9, $0xF7A;
	s5 =	simm.s32 @!p2 $0x0  }
0x1d: {  	s5 =	simm.s32 @p1 $0x1;
	p0 =	seq.s32 s7, s2  }
0x1e: {  	s7 =	smul.u32 @!p0 $0xF7A, s2;
	p2 =	seq.s32 @!p0 s5, $0x0  }
0x1f: {  	s9 =	smul.u32 $0xF7A, s1;
	s8 =	simm.s32 @!p0 $0x1BF5;
	p2 =	por !p2, p0  }
0x20: {  	[sflag:s8] =	ssyncset.s32 @!p0 $0xFFFFF086;
	s6 =	sadd.s32 @!p0 s3, s7;
	s7 =	simm.s32 @!p0 $0x108  }
0x21: {  	s3 =	sadd.s32 s3, s9;
	s6 =	sadd.s32 @!p0 $0x88, s6;
	s7 =	simm.s32 @p2 $0x1082  }
0x22: {  	[simem:s7], [sflag:s8] =	dma.local @!p0 [hbm:s6], $0xF7A  }
0x23: {  	s9 =	sor.u32 $0xD0000000, s2;
	s6 =	simm.s32 $0x108;
	_ =	swait.ge @!p0 [sflag:s8], $0x0  }
0x24: {  	s3 =	sadd.s32 $0x88, s3;
	s6 =	simm.s32 @!p1 $0x1082;
	[sflag:s4] =	ssyncset.s32 $0xFFFFF086  }
0x25: {  	[simem:s6], [sflag:s4] =	dma.local [hbm:s3], $0xF7A  }
0x26: {  	[smem:$0x3F98] =	sst s1;
	(tag) =	ssettag s2;
	_ =	strace s9  }
0x27: {  	s1 =	sld [smem:$0x3FA8]  }
0x28: {  	s2 =	sld [smem:$0x3FA9]  }
0x29: {  	s4 =	sld [smem:$0x3FAB]  }
0x2a: {  	p0 =	seq.s32 s5, $0x0;
	s5 =	sld [smem:$0x3FAC]  }
0x2b: {  	s6 =	sld [smem:$0x3FAD]  }
0x2c: {  	s7 =	sld [smem:$0x3FAE]  }
0x2d: {  	s3 =	simm.s32 $0x108;
	s8 =	sld [smem:$0x3FAF]  }
0x2e: {  	s3 =	simm.s32 @!p0 $0x1082;
	s9 =	sld [smem:$0x3FB0]  }
0x2f: {  	lr =	sadd.s32 s0, s3;
	s0 =	sld [smem:$0x3FA7]  }
0x30: {  	s3 =	sld [smem:$0x3FAA]  }
0x31: {  	[smem:$0x3FB3] =	sst s10  }
0x32: {  	s10 =	sld [smem:$0x3FB1];
	_ =	sdelay $0x3  }
0x33: {  	p0 =	seq.s32 s10, $0x1;
	s10 =	sld [smem:$0x3FB3];
	_ =	sdelay $0x3  }
0x34: {  	[smem:$0x3FB3] =	sst s10  }
0x35: {  	s10 =	sld [smem:$0x3FB2];
	_ =	sdelay $0x3  }
0x36: {  	p1 =	seq.s32 s10, $0x1;
	s10 =	sld [smem:$0x3FB3];
	_ =	sdelay $0x3  }
0x37: {  	[smem:$0x3FB3] =	sst s10  }
0x38: {  	s10 =	sld [smem:$0x3FB4]  }
0x39: {  	_ = 	snop;
	(pc) =	sbr.ind lr, $3  }
0x3a: {  	_ = 	snop  }
0x3b: {  	_ = 	snop  }
0x3c: {  	p2 =	seq.s32 s10, $0x1;
	s10 =	sld [smem:$0x3FB3]  }
0x3d: {  	_ =	shalt  }
0x3e: {  	_ =	shalt  }
0x3f: {  	_ =	shalt  }
0x40: {  	_ =	shalt  }
0x41: {  	_ =	shalt  }
0x42: {  	_ =	shalt  }
0x43: {  	_ =	shalt  }
0x44: {  	_ =	shalt  }
0x45: {  	_ =	shalt  }
0x46: {  	_ =	shalt  }
0x47: {  	_ =	shalt  }
0x48: {  	_ =	shalt  }
0x49: {  	_ =	shalt  }
0x4a: {  	_ =	shalt  }
0x4b: {  	_ =	shalt  }
0x4c: {  	_ =	shalt  }
0x4d: {  	_ =	shalt  }
0x4e: {  	_ =	shalt  }
0x4f: {  	_ =	shalt  }
0x50: {  	_ =	shalt  }
0x51: {  	_ =	shalt  }
0x52: {  	_ =	shalt  }
0x53: {  	_ =	shalt  }
0x54: {  	_ =	shalt  }
0x55: {  	_ =	shalt  }
0x56: {  	_ =	shalt  }
0x57: {  	_ =	shalt  }
0x58: {  	_ =	shalt  }
0x59: {  	_ =	shalt  }
0x5a: {  	_ =	shalt  }
0x5b: {  	_ =	shalt  }
0x5c: {  	_ =	shalt  }
0x5d: {  	_ =	shalt  }
0x5e: {  	_ =	shalt  }
0x5f: {  	_ =	shalt  }
0x60: {  	_ =	shalt  }
0x61: {  	_ =	shalt  }
0x62: {  	_ =	shalt  }
0x63: {  	_ =	shalt  }
0x64: {  	_ =	shalt  }
0x65: {  	_ =	shalt  }
0x66: {  	_ =	shalt  }
0x67: {  	_ =	shalt  }
0x68: {  	_ =	shalt  }
0x69: {  	_ =	shalt  }
0x6a: {  	_ =	shalt  }
0x6b: {  	_ =	shalt  }
0x6c: {  	_ =	shalt  }
0x6d: {  	_ =	shalt  }
0x6e: {  	_ =	shalt  }
0x6f: {  	_ =	shalt  }
0x70: {  	_ =	shalt  }
0x71: {  	_ =	shalt  }
0x72: {  	_ =	shalt  }
0x73: {  	_ =	shalt  }
0x74: {  	_ =	shalt  }
0x75: {  	_ =	shalt  }
0x76: {  	_ =	shalt  }
0x77: {  	_ =	shalt  }
0x78: {  	_ =	shalt  }
0x79: {  	_ =	shalt  }
0x7a: {  	_ =	shalt  }
0x7b: {  	_ =	shalt  }
0x7c: {  	_ =	shalt  }
0x7d: {  	_ =	shalt  }
0x7e: {  	_ =	shalt  }
0x7f: {  	_ =	shalt  }
0x80: {  	_ =	shalt  }
0x81: {  	_ =	shalt  }
0x82: {  	_ =	shalt  }
0x83: {  	_ =	shalt  }
0x84: {  	_ =	shalt  }
0x85: {  	_ =	shalt  }
0x86: {  	_ =	shalt  }
0x87: {  	_ =	shalt  }
.Lfunc_end0:
.L_simem_size_0:
called_computation_lowered:
.L_overlay_start_0:
0x88: {  	s2 =	sld [smem:$0x3FD9]  }
0x89: {  	s3 =	sld [smem:$0x3FFE];
	_ =	sdelay $0x1  }
0x8a: {  	s1 =	srdreg.scid  }
0x8b: {  	s0 =	sand.u32 $0x1, s1  }
0x8c: {  	s17 =	sshll.u32 s0, $0xA;
	s2 =	sadd.s32 s3, s2  }
0x8d: {  	s2 =	sadd.s32 s2, s17  }
0x8e: {  	[smem:$0x3FBF] =	sst s2  }
0x8f: {  	_ = 	snop  }
0x90: {  	s2 =	sld [smem:$0x3FD0];
	(tm) =	ssettm $0x1  }
0x91: {  	s18 =	sld [smem:$0x3FFB];
	_ =	sdelay $0x3  }
0x92: {  	_ =	strace s18  }
0x93: {  	s3 =	sld [smem:$0x3FFC];
	_ =	sdelay $0x3  }
0x94: {  	_ =	strace s3  }
0x95: {  	s3 =	sld [smem:$0x3FFD];
	_ =	sdelay $0x3  }
0x96: {  	_ =	strace s3  }
0x97: {  	_ =	strace $0x8FFFFFFF  }
0x98: {  	s19 =	sld [smem:$0x3FDB];
	_ =	sdelay $0x1  }
0x99: {  	s4 =	simm.s32 $_scs_section_size  }
0x9a: {  	s5 =	simm.s32 $_size__tile_overlayer_lowered;
	s6 =	simm.s32 $_tile_overlayer_lowered  }
0x9b: {  	s22 =	simm.s32 $0x1BFF;
	s21 =	sshll.u32 s6, $0x1;
	s3 =	sadd.s32 s4, s19  }
0x9c: {  	s7 =	simm.s32 $0x0;
	s20 =	sshll.u32 s5, $0x1;
	s5 =	sadd.s32 s21, s3  }
0x9d: {  	[timem:s7], [sflag:s22] =	dma.local [hbm:s5], s20  }
0x9e: {  	_ =	swait.ge [sflag:s22], s20  }
0x9f: {  	s4 =	ssub.s32 $0x0, s20;
	[sflag:s22] =	ssyncset.done $0x0  }
0xa0: {  	[sflag:s22] =	ssyncadd.s32 s4;
	_ =	sdelay $0x1  }
0xa1: {  	s23 =	simm.s32 $0x1B8B  }
0xa2: {  	_ =	swait.ge [sflag:s23], $0x1  }
0xa3: {  	[sflag:s23] =	ssyncset.done $0x0  }
0xa4: {  	s25 =	simm.s32 $0x1B8E;
	s24 =	sld [smem:$0x3FFE];
	[sflag:s23] =	ssyncadd.s32 $0xFFFFFFFF  }
0xa5: {  	s26 =	simm.s32 $execute0_lowered;
	[smem:$0x3FD2] =	sst s25  }
0xa6: {  	s5 =	sshll.u32 s26, $0x1;
	_ =	strace $0x80000046;
	[dreg:$0x1] =	wrdreg $0xFFFFFFFF  }
0xa7: {  	s28 =	simm.s32 $_size_execute0_lowered;
	s3 =	sadd.s32 s3, s5;
	[dreg:$0x0] =	wrdreg $0x0  }
0xa8: {  	s5 =	sshll.u32 s28, $0x1;
	[dreg:$0x2] =	wrdreg s3  }
0xa9: {  	[dreg:$0x3] =	wrdreg s5  }
0xaa: {  	[dreg:$0x4] =	wrdreg $0xC0  }
0xab: {  	_ =	task [dreg:s7], $0x5FFFF  }
0xac: {  	[dreg:$0x1] =	wrdreg $0xFFFFFFFF  }
0xad: {  	[dreg:$0x0] =	wrdreg $0x60  }
0xae: {  	[dreg:$0x2] =	wrdreg s24  }
0xaf: {  	[dreg:$0x3] =	wrdreg s2  }
0xb0: {  	[dreg:$0x4] =	wrdreg $0x9  }
0xb1: {  	_ =	task.clear_ibuf [dreg:s7], $0x5FFFF;
	_ =	strace $0x90000046  }
0xb2: {  	s29 =	simm.s32 $0x9;
	_ =	strace $0x80000048  }
0xb3: {  	_ =	swait.ge [sflag:s29], $0x1  }
0xb4: {  	[sflag:s29] =	ssyncadd.s32 $0xFFFFFFFF  }
0xb5: {  	_ =	strace $0x90000048  }
0xb6: {  	_ =	sfence  }
0xb7: {  	s30 =	sld [smem:$0x0];
	_ =	sdelay $0x2  }
0xb8: {  	s31 =	sshll.u32 s1, $0xD;
	s1 =	sshrl.u32 s1, $0x2  }
0xb9: {  	s3 =	sand.u32 $0x4000, s31;
	s1 =	sadd.s32 s1, s30  }
0xba: {  	s0 =	sor.u32 s3, s0;
	s1 =	sshll.u32 s1, $0x11  }
0xbb: {  	s0 =	sor.u32 s1, s0  }
0xbc: {  	s0 =	sadd.s32 $0x8F2B, s0  }
0xbd: {  	[sflag:s0] =	ssyncadd.remote.s32 $0x1  }
0xbe: {  	_ =	sfence.sel $0xFFFF  }
0xbf: {  	[dreg:$0x0] =	wrdreg $0xFFFFFFFF;
	(pc) =	sbr.abs _section_cstart, $3  }
0xc0: {  	[dreg:$0x1] =	wrdreg $0xFFFFFFFF  }
0xc1: {  	_ =	task.clear_ibuf [dreg:s7], $0x2FFFF;
	_ =	strace $0x9FFFFFFF  }
0xc2: {  	(tm) =	ssettm $0x7FFFFFFF  }
0xc3: {  	_ =	shalt  }
tec
execute0_lowered:
.L_overlay_start_1:
0x0: {  	(tag) =	ssettag $0x1  }
0x1: {  	s0 =	rddreg [dreg:$0x0];
	s1 =	srdreg.scid  }
0x2: {  	s3 =	stileid.u32;
	s2 =	rddreg [dreg:$0x1]  }
0x3: {  	s10 =	simm.s32 $0x6200;
	s28 =	simm.s32 $0x1;
	s29 =	simm.s32 $0x2600  }
0x4: {  	s30 =	simm.s32 $0x2E00;
	s31 =	simm.s32 $0x3200;
	s15 =	simm.s32 $0x6A00  }
0x5: {  	s16 =	simm.s32 $0x6E00;
	s17 =	simm.s32 $0x7600;
	s18 =	simm.s32 $0x7A00  }
0x6: {  	s19 =	simm.s32 $0x8200;
	s8 =	simm.s32 $0x8E00;
	s11 =	simm.s32 $0x9E00  }
0x7: {  	s12 =	simm.s32 $0xA600;
	s13 =	simm.s32 $0xAA00;
	s14 =	simm.s32 $0xB200  }
0x8: {  	s22 =	simm.s32 $0xBE00;
	s1 =	sand.u32 $0x1, s1;
	s4 =	sshll.u32 s3, $0x1  }
0x9: {  	s3 =	simm.s32 $0x0;
	s7 =	sadd.s32 $0x1400, s0;
	s4 =	sor.u32 s1, s4  }
0xa: {  	[smem:$0x7FF] =	sst s3;
	s1 =	ssub.s32 $0x2, s1;
	s5 =	smul.u32 $0x3000, s4  }
0xb: {  	_ =	strace $0x80000047;
	s6 =	sshll.u32 s4, $0x6;
	s24 =	sshrl.u32 s1, $0x1  }
0xc: {  	s4 =	smul.u32 $0x18000, s4;
	s0 =	sadd.s32 s6, s0;
	s1 =	ssub.s32 s1, s24  }
0xd: {  	s24 =	simm.s32 $0x1A00;
	s0 =	sadd.s32 $0x61400, s0;
	s5 =	sadd.s32 s7, s5  }
0xe: {  	s4 =	sshrl.u32 s4, $0x3;
	s6 =	smax.u32 s1, $0x1;
	[dreg:$0x3] =	wrdreg s0  }
0xf: {  	s1 =	simm.s32 $0x9200;
	[dreg:$0x7] =	wrdreg s5;
	s23 =	sadd.s32 $0xC00, s5  }
0x10: {  	s4 =	sadd.s32 s7, s4;
	s5 =	sadd.s32 $0x100, s2;
	s7 =	simm.s32 $0x8600  }
0x11: {  	v2 =	vlaneseq.u32;
	[dreg:$0x4] =	wrdreg s23;
	s25 =	sadd.s32 $0x1800, s4;
	s26 =	sadd.s32 $0x2400, s4  }
0x12: {  	vm0 =	vmmov $0xffff;
	vm1 =	vmmov $0xff;
	v1 =	vshrl.u32 v2, $0x3;
	s23 =	simm.s32 $0x1600;
	s4 =	simm.s32 $0x9A00;
	[dreg:$0x5] =	wrdreg s25  }
0x13: {  	v0 =	vand.u32 $0x7, v2;
	v2 =	vor.u32 $0x8, v2;
	v1 =	vmul.u32 $0x8, v1;
	[dreg:$0x6] =	wrdreg s26;
	s26 =	simm.s32 $0x3;
	s25 =	simm.s32 $0x2200  }
.LBB2_1:
0x14: {  	s20 =	rddreg [dreg:$0x3];
	s0 =	simm.s32 $0x4  }
0x15: {  	[tilespmem:s3], [sflag:$0x4] =	stream.linear.gather [hbm4b:s20+s3], $0x200, $0x38;
	[tilespmem:$0xC200] =	vst v63  }
0x16: {  	_ =	swait.ge [sflag:s0], $0x200  }
0x17: {  	[sflag:s0] =	ssyncset.done $0x0  }
0x18: {  	s9 =	simm.s32 $0x200;
	s21 =	rddreg [dreg:$0x7];
	[sflag:s0] =	ssyncadd.s32 $0xFFFFFE00  }
0x19: {  	[tilespmem:s9], [sflag:$0x1] =	stream.linear.gather [hbm4b:s21+s3], $0x6000, $0x38;
	[tilespmem:$0xC200] =	vst v63  }
0x1a: {  	s0 =	rddreg [dreg:$0x4]  }
0x1b: {  	[tilespmem:s10], [sflag:$0x2] =	stream.linear.gather [hbm4b:s0+s3], $0x6000, $0x38;
	[tilespmem:$0xC200] =	vst v63  }
0x1c: {  	_ =	swait.ge [sflag:s28], $0x6000  }
0x1d: {  	[sflag:s28] =	ssyncset.done $0x0  }
0x1e: {  	[sflag:s28] =	ssyncadd.s32 $0xFFFFA000  }
0x1f: {  	v3 =	vld [tilespmem:$0x0];
	_ =	sdelay $0x4  }
0x20: {  	v4 =	vshrl.u32 v3, $0x3  }
0x21: {  	v4 =	vmul.u32 $0x18, v4  }
0x22: {  	v3 =	vand.u32 $0x7, v3  }
0x23: {  	v3 =	vor.u32 v3, v4  }
0x24: {  	v4 =	vperm.xlane v3, v0;
	_ =	sdelay $0x1  }
0x25: {  	v4 =	vadd.s32 v1, v4;
	_ =	sdelay $0x1  }
0x26: {  	v3 =	vperm.xlane v3, v2;
	_ =	sdelay $0x1  }
0x27: {  	v3 =	vadd.s32 v1, v3  }
0x28: {  	[hbm4b:s2+s3] =	stream.indirect_vreg.scatter [tilespmem:s9], [sflag:$0x3], $0x80, v4, vm0, $0xb8;
	[tilespmem:$0xC200] =	vst v63  }
0x29: {  	s21 =	simm.s32 $0xA00  }
0x2a: {  	[hbm4b:s5+s3] =	stream.indirect_vreg.scatter [tilespmem:s21], [sflag:$0x3], $0x80, v4, vm1, $0xb8;
	[tilespmem:$0xC200] =	vst v63  }
0x2b: {  	s20 =	simm.s32 $0xE00  }
0x2c: {  	[hbm4b:s2+s3] =	stream.indirect_vreg.scatter [tilespmem:s20], [sflag:$0x3], $0x80, v3, vm0, $0xb8;
	[tilespmem:$0xC200] =	vst v63  }
0x2d: {  	_ = 	snop  }
0x2e: {  	[hbm4b:s5+s3] =	stream.indirect_vreg.scatter [tilespmem:s23], [sflag:$0x3], $0x80, v3, vm1, $0xb8;
	[tilespmem:$0xC200] =	vst v63  }
0x2f: {  	v3 =	vld [tilespmem:$0x10];
	_ =	sdelay $0x4  }
0x30: {  	v49 =	vshrl.u32 v3, $0x3  }
0x31: {  	v4 =	vmul.u32 $0x18, v49  }
0x32: {  	v3 =	vand.u32 $0x7, v3  }
0x33: {  	v3 =	vor.u32 v3, v4  }
0x34: {  	v4 =	vperm.xlane v3, v0;
	_ =	sdelay $0x1  }
0x35: {  	v4 =	vadd.s32 v1, v4;
	_ =	sdelay $0x1  }
0x36: {  	v3 =	vperm.xlane v3, v2;
	_ =	sdelay $0x1  }
0x37: {  	v3 =	vadd.s32 v1, v3  }
0x38: {  	[hbm4b:s2+s3] =	stream.indirect_vreg.scatter [tilespmem:s24], [sflag:$0x3], $0x80, v4, vm0, $0xb8;
	[tilespmem:$0xC200] =	vst v63  }
0x39: {  	_ = 	snop  }
0x3a: {  	[hbm4b:s5+s3] =	stream.indirect_vreg.scatter [tilespmem:s25], [sflag:$0x3], $0x80, v4, vm1, $0xb8;
	[tilespmem:$0xC200] =	vst v63  }
0x3b: {  	_ = 	snop  }
0x3c: {  	[hbm4b:s2+s3] =	stream.indirect_vreg.scatter [tilespmem:s29], [sflag:$0x3], $0x80, v3, vm0, $0xb8;
	[tilespmem:$0xC200] =	vst v63  }
0x3d: {  	_ = 	snop  }
0x3e: {  	[hbm4b:s5+s3] =	stream.indirect_vreg.scatter [tilespmem:s30], [sflag:$0x3], $0x80, v3, vm1, $0xb8;
	[tilespmem:$0xC200] =	vst v63  }
0x3f: {  	v3 =	vld [tilespmem:$0x20];
	_ =	sdelay $0x4  }
0x40: {  	v50 =	vshrl.u32 v3, $0x3  }
0x41: {  	v4 =	vmul.u32 $0x18, v50  }
0x42: {  	v3 =	vand.u32 $0x7, v3  }
0x43: {  	v3 =	vor.u32 v3, v4  }
0x44: {  	v4 =	vperm.xlane v3, v0;
	_ =	sdelay $0x1  }
0x45: {  	v4 =	vadd.s32 v1, v4;
	_ =	sdelay $0x1  }
0x46: {  	v3 =	vperm.xlane v3, v2;
	_ =	sdelay $0x1  }
0x47: {  	v3 =	vadd.s32 v1, v3  }
0x48: {  	[hbm4b:s2+s3] =	stream.indirect_vreg.scatter [tilespmem:s31], [sflag:$0x3], $0x80, v4, vm0, $0xb8;
	[tilespmem:$0xC200] =	vst v63  }
0x49: {  	s21 =	simm.s32 $0x3A00  }
0x4a: {  	[hbm4b:s5+s3] =	stream.indirect_vreg.scatter [tilespmem:s21], [sflag:$0x3], $0x80, v4, vm1, $0xb8;
	[tilespmem:$0xC200] =	vst v63  }
0x4b: {  	s20 =	simm.s32 $0x3E00  }
0x4c: {  	[hbm4b:s2+s3] =	stream.indirect_vreg.scatter [tilespmem:s20], [sflag:$0x3], $0x80, v3, vm0, $0xb8;
	[tilespmem:$0xC200] =	vst v63  }
0x4d: {  	s21 =	simm.s32 $0x4600  }
0x4e: {  	[hbm4b:s5+s3] =	stream.indirect_vreg.scatter [tilespmem:s21], [sflag:$0x3], $0x80, v3, vm1, $0xb8;
	[tilespmem:$0xC200] =	vst v63  }
0x4f: {  	v3 =	vld [tilespmem:$0x30];
	_ =	sdelay $0x4  }
0x50: {  	v51 =	vshrl.u32 v3, $0x3  }
0x51: {  	v4 =	vmul.u32 $0x18, v51  }
0x52: {  	v3 =	vand.u32 $0x7, v3  }
0x53: {  	v3 =	vor.u32 v3, v4  }
0x54: {  	v4 =	vperm.xlane v3, v0;
	_ =	sdelay $0x1  }
0x55: {  	v4 =	vadd.s32 v1, v4;
	_ =	sdelay $0x1  }
0x56: {  	v3 =	vperm.xlane v3, v2;
	_ =	sdelay $0x1  }
0x57: {  	s20 =	simm.s32 $0x4A00;
	v3 =	vadd.s32 v1, v3  }
0x58: {  	[hbm4b:s2+s3] =	stream.indirect_vreg.scatter [tilespmem:s20], [sflag:$0x3], $0x80, v4, vm0, $0xb8;
	[tilespmem:$0xC200] =	vst v63  }
0x59: {  	s21 =	simm.s32 $0x5200  }
0x5a: {  	[hbm4b:s5+s3] =	stream.indirect_vreg.scatter [tilespmem:s21], [sflag:$0x3], $0x80, v4, vm1, $0xb8;
	[tilespmem:$0xC200] =	vst v63  }
0x5b: {  	s20 =	simm.s32 $0x5600  }
0x5c: {  	[hbm4b:s2+s3] =	stream.indirect_vreg.scatter [tilespmem:s20], [sflag:$0x3], $0x80, v3, vm0, $0xb8;
	[tilespmem:$0xC200] =	vst v63  }
0x5d: {  	s21 =	simm.s32 $0x5E00  }
0x5e: {  	[hbm4b:s5+s3] =	stream.indirect_vreg.scatter [tilespmem:s21], [sflag:$0x3], $0x80, v3, vm1, $0xb8;
	[tilespmem:$0xC200] =	vst v63  }
0x5f: {  	_ =	swait.ge [sflag:s26], $0x6000  }
0x60: {  	[sflag:s26] =	ssyncset.done $0x0  }
0x61: {  	s0 =	rddreg [dreg:$0x5];
	[sflag:s26] =	ssyncadd.s32 $0xFFFFA000  }
0x62: {  	[tilespmem:s9], [sflag:$0x1] =	stream.linear.gather [hbm4b:s0+s3], $0x6000, $0x38;
	[tilespmem:$0xC200] =	vst v63  }
0x63: {  	s0 =	simm.s32 $0x2  }
0x64: {  	_ =	swait.ge [sflag:s0], $0x6000  }
0x65: {  	[sflag:s0] =	ssyncset.done $0x0  }
0x66: {  	[sflag:s0] =	ssyncadd.s32 $0xFFFFA000  }
0x67: {  	v3 =	vld [tilespmem:$0x80];
	_ =	sdelay $0x4  }
0x68: {  	v52 =	vshrl.u32 v3, $0x3  }
0x69: {  	v4 =	vmul.u32 $0x18, v52  }
0x6a: {  	v3 =	vand.u32 $0x7, v3  }
0x6b: {  	v3 =	vor.u32 v3, v4  }
0x6c: {  	v4 =	vperm.xlane v3, v0;
	_ =	sdelay $0x1  }
0x6d: {  	v4 =	vadd.s32 v1, v4;
	_ =	sdelay $0x1  }
0x6e: {  	v3 =	vperm.xlane v3, v2;
	_ =	sdelay $0x1  }
0x6f: {  	v3 =	vadd.s32 v1, v3  }
0x70: {  	[hbm4b:s2+s3] =	stream.indirect_vreg.scatter [tilespmem:s10], [sflag:$0x3], $0x80, v4, vm0, $0xb8;
	[tilespmem:$0xC200] =	vst v63  }
0x71: {  	_ = 	snop  }
0x72: {  	[hbm4b:s5+s3] =	stream.indirect_vreg.scatter [tilespmem:s15], [sflag:$0x3], $0x80, v4, vm1, $0xb8;
	[tilespmem:$0xC200] =	vst v63  }
0x73: {  	_ = 	snop  }
0x74: {  	[hbm4b:s2+s3] =	stream.indirect_vreg.scatter [tilespmem:s16], [sflag:$0x3], $0x80, v3, vm0, $0xb8;
	[tilespmem:$0xC200] =	vst v63  }
0x75: {  	_ = 	snop  }
0x76: {  	[hbm4b:s5+s3] =	stream.indirect_vreg.scatter [tilespmem:s17], [sflag:$0x3], $0x80, v3, vm1, $0xb8;
	[tilespmem:$0xC200] =	vst v63  }
0x77: {  	v3 =	vld [tilespmem:$0x90];
	_ =	sdelay $0x4  }
0x78: {  	v53 =	vshrl.u32 v3, $0x3  }
0x79: {  	v4 =	vmul.u32 $0x18, v53  }
0x7a: {  	v3 =	vand.u32 $0x7, v3  }
0x7b: {  	v3 =	vor.u32 v3, v4  }
0x7c: {  	v4 =	vperm.xlane v3, v0;
	_ =	sdelay $0x1  }
0x7d: {  	v4 =	vadd.s32 v1, v4;
	_ =	sdelay $0x1  }
0x7e: {  	v3 =	vperm.xlane v3, v2;
	_ =	sdelay $0x1  }
0x7f: {  	v3 =	vadd.s32 v1, v3  }
0x80: {  	[hbm4b:s2+s3] =	stream.indirect_vreg.scatter [tilespmem:s18], [sflag:$0x3], $0x80, v4, vm0, $0xb8;
	[tilespmem:$0xC200] =	vst v63  }
0x81: {  	_ = 	snop  }
0x82: {  	[hbm4b:s5+s3] =	stream.indirect_vreg.scatter [tilespmem:s19], [sflag:$0x3], $0x80, v4, vm1, $0xb8;
	[tilespmem:$0xC200] =	vst v63  }
0x83: {  	_ = 	snop  }
0x84: {  	[hbm4b:s2+s3] =	stream.indirect_vreg.scatter [tilespmem:s7], [sflag:$0x3], $0x80, v3, vm0, $0xb8;
	[tilespmem:$0xC200] =	vst v63  }
0x85: {  	_ = 	snop  }
0x86: {  	[hbm4b:s5+s3] =	stream.indirect_vreg.scatter [tilespmem:s8], [sflag:$0x3], $0x80, v3, vm1, $0xb8;
	[tilespmem:$0xC200] =	vst v63  }
0x87: {  	v3 =	vld [tilespmem:$0xA0];
	_ =	sdelay $0x4  }
0x88: {  	v54 =	vshrl.u32 v3, $0x3  }
0x89: {  	v4 =	vmul.u32 $0x18, v54  }
0x8a: {  	v3 =	vand.u32 $0x7, v3  }
0x8b: {  	v3 =	vor.u32 v3, v4  }
0x8c: {  	v4 =	vperm.xlane v3, v0;
	_ =	sdelay $0x1  }
0x8d: {  	v4 =	vadd.s32 v1, v4;
	_ =	sdelay $0x1  }
0x8e: {  	v3 =	vperm.xlane v3, v2;
	_ =	sdelay $0x1  }
0x8f: {  	v3 =	vadd.s32 v1, v3  }
0x90: {  	[hbm4b:s2+s3] =	stream.indirect_vreg.scatter [tilespmem:s1], [sflag:$0x3], $0x80, v4, vm0, $0xb8;
	[tilespmem:$0xC200] =	vst v63  }
0x91: {  	_ = 	snop  }
0x92: {  	[hbm4b:s5+s3] =	stream.indirect_vreg.scatter [tilespmem:s4], [sflag:$0x3], $0x80, v4, vm1, $0xb8;
	[tilespmem:$0xC200] =	vst v63  }
0x93: {  	_ = 	snop  }
0x94: {  	[hbm4b:s2+s3] =	stream.indirect_vreg.scatter [tilespmem:s11], [sflag:$0x3], $0x80, v3, vm0, $0xb8;
	[tilespmem:$0xC200] =	vst v63  }
0x95: {  	_ = 	snop  }
0x96: {  	[hbm4b:s5+s3] =	stream.indirect_vreg.scatter [tilespmem:s12], [sflag:$0x3], $0x80, v3, vm1, $0xb8;
	[tilespmem:$0xC200] =	vst v63  }
0x97: {  	v3 =	vld [tilespmem:$0xB0];
	_ =	sdelay $0x4  }
0x98: {  	v55 =	vshrl.u32 v3, $0x3  }
0x99: {  	v4 =	vmul.u32 $0x18, v55  }
0x9a: {  	v3 =	vand.u32 $0x7, v3  }
0x9b: {  	v3 =	vor.u32 v3, v4  }
0x9c: {  	v4 =	vperm.xlane v3, v0;
	_ =	sdelay $0x1  }
0x9d: {  	v4 =	vadd.s32 v1, v4;
	_ =	sdelay $0x1  }
0x9e: {  	v3 =	vperm.xlane v3, v2;
	_ =	sdelay $0x1  }
0x9f: {  	v3 =	vadd.s32 v1, v3  }
0xa0: {  	[hbm4b:s2+s3] =	stream.indirect_vreg.scatter [tilespmem:s13], [sflag:$0x3], $0x80, v4, vm0, $0xb8;
	[tilespmem:$0xC200] =	vst v63  }
0xa1: {  	_ = 	snop  }
0xa2: {  	[hbm4b:s5+s3] =	stream.indirect_vreg.scatter [tilespmem:s14], [sflag:$0x3], $0x80, v4, vm1, $0xb8;
	[tilespmem:$0xC200] =	vst v63  }
0xa3: {  	s21 =	simm.s32 $0xB600  }
0xa4: {  	[hbm4b:s2+s3] =	stream.indirect_vreg.scatter [tilespmem:s21], [sflag:$0x3], $0x80, v3, vm0, $0xb8;
	[tilespmem:$0xC200] =	vst v63  }
0xa5: {  	_ = 	snop  }
0xa6: {  	[hbm4b:s5+s3] =	stream.indirect_vreg.scatter [tilespmem:s22], [sflag:$0x3], $0x80, v3, vm1, $0xb8;
	[tilespmem:$0xC200] =	vst v63  }
0xa7: {  	_ =	swait.ge [sflag:s26], $0x6000  }
0xa8: {  	[sflag:s26] =	ssyncset.done $0x0  }
0xa9: {  	s20 =	rddreg [dreg:$0x6];
	[sflag:s26] =	ssyncadd.s32 $0xFFFFA000  }
0xaa: {  	[tilespmem:s10], [sflag:$0x2] =	stream.linear.gather [hbm4b:s20+s3], $0x6000, $0x38;
	[tilespmem:$0xC200] =	vst v63  }
0xab: {  	_ =	swait.ge [sflag:s28], $0x6000  }
0xac: {  	[sflag:s28] =	ssyncset.done $0x0  }
0xad: {  	[sflag:s28] =	ssyncadd.s32 $0xFFFFA000  }
0xae: {  	v3 =	vld [tilespmem:$0x100];
	_ =	sdelay $0x4  }
0xaf: {  	v56 =	vshrl.u32 v3, $0x3  }
0xb0: {  	v4 =	vmul.u32 $0x18, v56  }
0xb1: {  	v3 =	vand.u32 $0x7, v3  }
0xb2: {  	v3 =	vor.u32 v3, v4  }
0xb3: {  	v4 =	vperm.xlane v3, v0;
	_ =	sdelay $0x1  }
0xb4: {  	v4 =	vadd.s32 v1, v4;
	_ =	sdelay $0x1  }
0xb5: {  	v3 =	vperm.xlane v3, v2;
	_ =	sdelay $0x1  }
0xb6: {  	v3 =	vadd.s32 v1, v3  }
0xb7: {  	[hbm4b:s2+s3] =	stream.indirect_vreg.scatter [tilespmem:s9], [sflag:$0x3], $0x80, v4, vm0, $0xb8;
	[tilespmem:$0xC200] =	vst v63  }
0xb8: {  	s20 =	simm.s32 $0xA00  }
0xb9: {  	[hbm4b:s5+s3] =	stream.indirect_vreg.scatter [tilespmem:s20], [sflag:$0x3], $0x80, v4, vm1, $0xb8;
	[tilespmem:$0xC200] =	vst v63  }
0xba: {  	s20 =	simm.s32 $0xE00  }
0xbb: {  	[hbm4b:s2+s3] =	stream.indirect_vreg.scatter [tilespmem:s20], [sflag:$0x3], $0x80, v3, vm0, $0xb8;
	[tilespmem:$0xC200] =	vst v63  }
0xbc: {  	_ = 	snop  }
0xbd: {  	[hbm4b:s5+s3] =	stream.indirect_vreg.scatter [tilespmem:s23], [sflag:$0x3], $0x80, v3, vm1, $0xb8;
	[tilespmem:$0xC200] =	vst v63  }
0xbe: {  	v3 =	vld [tilespmem:$0x110];
	_ =	sdelay $0x4  }
0xbf: {  	v57 =	vshrl.u32 v3, $0x3  }
0xc0: {  	v4 =	vmul.u32 $0x18, v57  }
0xc1: {  	v3 =	vand.u32 $0x7, v3  }
0xc2: {  	v3 =	vor.u32 v3, v4  }
0xc3: {  	v4 =	vperm.xlane v3, v0;
	_ =	sdelay $0x1  }
0xc4: {  	v4 =	vadd.s32 v1, v4;
	_ =	sdelay $0x1  }
0xc5: {  	v3 =	vperm.xlane v3, v2;
	_ =	sdelay $0x1  }
0xc6: {  	v3 =	vadd.s32 v1, v3  }
0xc7: {  	[hbm4b:s2+s3] =	stream.indirect_vreg.scatter [tilespmem:s24], [sflag:$0x3], $0x80, v4, vm0, $0xb8;
	[tilespmem:$0xC200] =	vst v63  }
0xc8: {  	_ = 	snop  }
0xc9: {  	[hbm4b:s5+s3] =	stream.indirect_vreg.scatter [tilespmem:s25], [sflag:$0x3], $0x80, v4, vm1, $0xb8;
	[tilespmem:$0xC200] =	vst v63  }
0xca: {  	_ = 	snop  }
0xcb: {  	[hbm4b:s2+s3] =	stream.indirect_vreg.scatter [tilespmem:s29], [sflag:$0x3], $0x80, v3, vm0, $0xb8;
	[tilespmem:$0xC200] =	vst v63  }
0xcc: {  	_ = 	snop  }
0xcd: {  	[hbm4b:s5+s3] =	stream.indirect_vreg.scatter [tilespmem:s30], [sflag:$0x3], $0x80, v3, vm1, $0xb8;
	[tilespmem:$0xC200] =	vst v63  }
0xce: {  	v3 =	vld [tilespmem:$0x120];
	_ =	sdelay $0x4  }
0xcf: {  	v58 =	vshrl.u32 v3, $0x3  }
0xd0: {  	v4 =	vmul.u32 $0x18, v58  }
0xd1: {  	v3 =	vand.u32 $0x7, v3  }
0xd2: {  	v3 =	vor.u32 v3, v4  }
0xd3: {  	v4 =	vperm.xlane v3, v0;
	_ =	sdelay $0x1  }
0xd4: {  	v4 =	vadd.s32 v1, v4;
	_ =	sdelay $0x1  }
0xd5: {  	v3 =	vperm.xlane v3, v2;
	_ =	sdelay $0x1  }
0xd6: {  	v3 =	vadd.s32 v1, v3  }
0xd7: {  	[hbm4b:s2+s3] =	stream.indirect_vreg.scatter [tilespmem:s31], [sflag:$0x3], $0x80, v4, vm0, $0xb8;
	[tilespmem:$0xC200] =	vst v63  }
0xd8: {  	s20 =	simm.s32 $0x3A00  }
0xd9: {  	[hbm4b:s5+s3] =	stream.indirect_vreg.scatter [tilespmem:s20], [sflag:$0x3], $0x80, v4, vm1, $0xb8;
	[tilespmem:$0xC200] =	vst v63  }
0xda: {  	s20 =	simm.s32 $0x3E00  }
0xdb: {  	[hbm4b:s2+s3] =	stream.indirect_vreg.scatter [tilespmem:s20], [sflag:$0x3], $0x80, v3, vm0, $0xb8;
	[tilespmem:$0xC200] =	vst v63  }
0xdc: {  	s20 =	simm.s32 $0x4600  }
0xdd: {  	[hbm4b:s5+s3] =	stream.indirect_vreg.scatter [tilespmem:s20], [sflag:$0x3], $0x80, v3, vm1, $0xb8;
	[tilespmem:$0xC200] =	vst v63  }
0xde: {  	v3 =	vld [tilespmem:$0x130];
	_ =	sdelay $0x4  }
0xdf: {  	v59 =	vshrl.u32 v3, $0x3  }
0xe0: {  	v4 =	vmul.u32 $0x18, v59  }
0xe1: {  	v3 =	vand.u32 $0x7, v3  }
0xe2: {  	v3 =	vor.u32 v3, v4  }
0xe3: {  	v4 =	vperm.xlane v3, v0;
	_ =	sdelay $0x1  }
0xe4: {  	v4 =	vadd.s32 v1, v4;
	_ =	sdelay $0x1  }
0xe5: {  	v3 =	vperm.xlane v3, v2;
	_ =	sdelay $0x1  }
0xe6: {  	s20 =	simm.s32 $0x4A00;
	v3 =	vadd.s32 v1, v3  }
0xe7: {  	[hbm4b:s2+s3] =	stream.indirect_vreg.scatter [tilespmem:s20], [sflag:$0x3], $0x80, v4, vm0, $0xb8;
	[tilespmem:$0xC200] =	vst v63  }
0xe8: {  	s20 =	simm.s32 $0x5200  }
0xe9: {  	[hbm4b:s5+s3] =	stream.indirect_vreg.scatter [tilespmem:s20], [sflag:$0x3], $0x80, v4, vm1, $0xb8;
	[tilespmem:$0xC200] =	vst v63  }
0xea: {  	s20 =	simm.s32 $0x5600  }
0xeb: {  	[hbm4b:s2+s3] =	stream.indirect_vreg.scatter [tilespmem:s20], [sflag:$0x3], $0x80, v3, vm0, $0xb8;
	[tilespmem:$0xC200] =	vst v63  }
0xec: {  	s20 =	simm.s32 $0x5E00  }
0xed: {  	[hbm4b:s5+s3] =	stream.indirect_vreg.scatter [tilespmem:s20], [sflag:$0x3], $0x80, v3, vm1, $0xb8;
	[tilespmem:$0xC200] =	vst v63  }
0xee: {  	_ =	swait.ge [sflag:s26], $0x6000  }
0xef: {  	[sflag:s26] =	ssyncset.done $0x0  }
0xf0: {  	[sflag:s26] =	ssyncadd.s32 $0xFFFFA000  }
0xf1: {  	_ =	swait.ge [sflag:s0], $0x6000  }
0xf2: {  	[sflag:s0] =	ssyncset.done $0x0  }
0xf3: {  	[sflag:s0] =	ssyncadd.s32 $0xFFFFA000  }
0xf4: {  	v3 =	vld [tilespmem:$0x180];
	_ =	sdelay $0x4  }
0xf5: {  	v60 =	vshrl.u32 v3, $0x3  }
0xf6: {  	v4 =	vmul.u32 $0x18, v60  }
0xf7: {  	v3 =	vand.u32 $0x7, v3  }
0xf8: {  	v3 =	vor.u32 v3, v4  }
0xf9: {  	v4 =	vperm.xlane v3, v0;
	_ =	sdelay $0x1  }
0xfa: {  	v4 =	vadd.s32 v1, v4;
	_ =	sdelay $0x1  }
0xfb: {  	v3 =	vperm.xlane v3, v2;
	_ =	sdelay $0x1  }
0xfc: {  	v3 =	vadd.s32 v1, v3  }
0xfd: {  	[hbm4b:s2+s3] =	stream.indirect_vreg.scatter [tilespmem:s10], [sflag:$0x3], $0x80, v4, vm0, $0xb8;
	[tilespmem:$0xC200] =	vst v63  }
0xfe: {  	_ = 	snop  }
0xff: {  	[hbm4b:s5+s3] =	stream.indirect_vreg.scatter [tilespmem:s15], [sflag:$0x3], $0x80, v4, vm1, $0xb8;
	[tilespmem:$0xC200] =	vst v63  }
0x100: {  	_ = 	snop  }
0x101: {  	[hbm4b:s2+s3] =	stream.indirect_vreg.scatter [tilespmem:s16], [sflag:$0x3], $0x80, v3, vm0, $0xb8;
	[tilespmem:$0xC200] =	vst v63  }
0x102: {  	_ = 	snop  }
0x103: {  	[hbm4b:s5+s3] =	stream.indirect_vreg.scatter [tilespmem:s17], [sflag:$0x3], $0x80, v3, vm1, $0xb8;
	[tilespmem:$0xC200] =	vst v63  }
0x104: {  	v3 =	vld [tilespmem:$0x190];
	_ =	sdelay $0x4  }
0x105: {  	v61 =	vshrl.u32 v3, $0x3  }
0x106: {  	v4 =	vmul.u32 $0x18, v61  }
0x107: {  	v3 =	vand.u32 $0x7, v3  }
0x108: {  	v3 =	vor.u32 v3, v4  }
0x109: {  	v4 =	vperm.xlane v3, v0;
	_ =	sdelay $0x1  }
0x10a: {  	v4 =	vadd.s32 v1, v4;
	_ =	sdelay $0x1  }
0x10b: {  	v3 =	vperm.xlane v3, v2;
	_ =	sdelay $0x1  }
0x10c: {  	v3 =	vadd.s32 v1, v3  }
0x10d: {  	[hbm4b:s2+s3] =	stream.indirect_vreg.scatter [tilespmem:s18], [sflag:$0x3], $0x80, v4, vm0, $0xb8;
	[tilespmem:$0xC200] =	vst v63  }
0x10e: {  	_ = 	snop  }
0x10f: {  	[hbm4b:s5+s3] =	stream.indirect_vreg.scatter [tilespmem:s19], [sflag:$0x3], $0x80, v4, vm1, $0xb8;
	[tilespmem:$0xC200] =	vst v63  }
0x110: {  	_ = 	snop  }
0x111: {  	[hbm4b:s2+s3] =	stream.indirect_vreg.scatter [tilespmem:s7], [sflag:$0x3], $0x80, v3, vm0, $0xb8;
	[tilespmem:$0xC200] =	vst v63  }
0x112: {  	_ = 	snop  }
0x113: {  	[hbm4b:s5+s3] =	stream.indirect_vreg.scatter [tilespmem:s8], [sflag:$0x3], $0x80, v3, vm1, $0xb8;
	[tilespmem:$0xC200] =	vst v63  }
0x114: {  	v3 =	vld [tilespmem:$0x1A0];
	_ =	sdelay $0x4  }
0x115: {  	v62 =	vshrl.u32 v3, $0x3  }
0x116: {  	v4 =	vmul.u32 $0x18, v62  }
0x117: {  	v3 =	vand.u32 $0x7, v3  }
0x118: {  	v3 =	vor.u32 v3, v4  }
0x119: {  	v4 =	vperm.xlane v3, v0;
	_ =	sdelay $0x1  }
0x11a: {  	v4 =	vadd.s32 v1, v4;
	_ =	sdelay $0x1  }
0x11b: {  	v3 =	vperm.xlane v3, v2;
	_ =	sdelay $0x1  }
0x11c: {  	v3 =	vadd.s32 v1, v3  }
0x11d: {  	[hbm4b:s2+s3] =	stream.indirect_vreg.scatter [tilespmem:s1], [sflag:$0x3], $0x80, v4, vm0, $0xb8;
	[tilespmem:$0xC200] =	vst v63  }
0x11e: {  	_ = 	snop  }
0x11f: {  	[hbm4b:s5+s3] =	stream.indirect_vreg.scatter [tilespmem:s4], [sflag:$0x3], $0x80, v4, vm1, $0xb8;
	[tilespmem:$0xC200] =	vst v63  }
0x120: {  	_ = 	snop  }
0x121: {  	[hbm4b:s2+s3] =	stream.indirect_vreg.scatter [tilespmem:s11], [sflag:$0x3], $0x80, v3, vm0, $0xb8;
	[tilespmem:$0xC200] =	vst v63  }
0x122: {  	_ = 	snop  }
0x123: {  	[hbm4b:s5+s3] =	stream.indirect_vreg.scatter [tilespmem:s12], [sflag:$0x3], $0x80, v3, vm1, $0xb8;
	[tilespmem:$0xC200] =	vst v63  }
0x124: {  	v3 =	vld [tilespmem:$0x1B0];
	_ =	sdelay $0x4  }
0x125: {  	v63 =	vshrl.u32 v3, $0x3  }
0x126: {  	v4 =	vmul.u32 $0x18, v63  }
0x127: {  	v3 =	vand.u32 $0x7, v3  }
0x128: {  	v3 =	vor.u32 v3, v4  }
0x129: {  	v4 =	vperm.xlane v3, v0;
	_ =	sdelay $0x1  }
0x12a: {  	v4 =	vadd.s32 v1, v4;
	_ =	sdelay $0x1  }
0x12b: {  	v3 =	vperm.xlane v3, v2;
	_ =	sdelay $0x1  }
0x12c: {  	v3 =	vadd.s32 v1, v3  }
0x12d: {  	[hbm4b:s2+s3] =	stream.indirect_vreg.scatter [tilespmem:s13], [sflag:$0x3], $0x80, v4, vm0, $0xb8;
	[tilespmem:$0xC200] =	vst v63  }
0x12e: {  	_ = 	snop  }
0x12f: {  	[hbm4b:s5+s3] =	stream.indirect_vreg.scatter [tilespmem:s14], [sflag:$0x3], $0x80, v4, vm1, $0xb8;
	[tilespmem:$0xC200] =	vst v63  }
0x130: {  	p0 =	sne.s32 s6, $0x1  }
0x131: {  	[hbm4b:s2+s3] =	stream.indirect_vreg.scatter [tilespmem:s21], [sflag:$0x3], $0x80, v3, vm0, $0xb8;
	[tilespmem:$0xC200] =	vst v63  }
.Ltmp0:
0x132: {  	_ = 	snop;
	(pc) =	sbr.rel @p0 .LBB2_1-.Ltmp0, $4  }
0x133: {  	[hbm4b:s5+s3] =	stream.indirect_vreg.scatter [tilespmem:s22], [sflag:$0x3], $0x80, v3, vm1, $0xb8;
	[tilespmem:$0xC200] =	vst v63  }
0x134: {  	_ =	swait.ge [sflag:s26], $0x6000  }
0x135: {  	[sflag:s26] =	ssyncset.done $0x0  }
0x136: {  	s6 =	sadd.s32 $0xFFFFFFFF, s6;
	[sflag:s26] =	ssyncadd.s32 $0xFFFFA000  }
0x137: {  	_ =	sfence.sel $0x180000  }
0x138: {  	[bflag:$0x0] =	sbarrier.arrive $0xFFFF  }
0x139: {  	_ =	strace $0x90000047  }
0x13a: {  	s0 =	stileid.u32;
	[bflag:$0x2] =	sbarrier.arrive $0xFFFF  }
0x13b: {  	p0 =	sne.s32 s0, $0x0;
	s0 =	rddreg [dreg:$0x2]  }
0x13c: {  	s0 =	sadd.s32 @!p0 $0x100000, s0  }
0x13d: {  	[sflag:s0] =	ssyncadd.tile.s32 @!p0 $0x1;
	_ =	shalt  }
.Lfunc_end2:
_tile_overlayer_lowered:
.L_overlay_start_2:
0x13e: {  	(tag) =	ssettag $0x2  }
0x13f: {  	s0 =	rddreg [dreg:$0x0];
	s2 =	stileid.u32  }
0x140: {  	s1 =	rddreg [dreg:$0x1];
	p0 =	sne.s32 s2, $0x0  }
0x141: {  	s3 =	rddreg [dreg:$0x2];
	[bflag:$0x3] =	sbarrier.arrive $0xFFFF;
	s2 =	simm.s32 @!p0 $0x1C04  }
0x142: {  	[timem:s3], [sflag:s2] =	dma.local @!p0 [hbm:s0], s1  }
0x143: {  	s0 =	simm.s32 @!p0 $0x4  }
0x144: {  	_ =	swait.ge @!p0 [sflag:s0], s1  }
0x145: {  	s1 =	ssub.s32 @!p0 $0x0, s1;
	[sflag:s0] =	ssyncset.done @!p0 $0x0  }
0x146: {  	[sflag:s0] =	ssyncadd.s32 @!p0 s1  }
0x147: {  	[bflag:$0x3] =	sbarrier.arrive $0xFFFF  }
0x148: {  	_ =	shalt  }

</sc_bundles>
